<compile_context>
chip_gen: v7x
topology: tpu7x:2x2x1
jax: 0.10.2.dev20260603
libtpu: 0.0.44.dev20260713+nightly
codegen_flags: <defaults>
</compile_context>

<pallas_src>
import functools

import jax
import jax.numpy as jnp
from jax import lax
from jax.experimental import pallas as pl
from jax.experimental.pallas import tpu as pltpu
from jax.experimental.pallas import tpu_sc as plsc

_K = 10
_NKP = 9
_C = 2048
_BIG = 1e30


def _sc_scan_body(n_points, kpts_hbm, cpt_hbm, pcld_hbm, seg_hbm, out_hbm,
                  kc, cc, pc, sgc, st, bk_ref, sem):
    b = lax.axis_index("s") * 2 + lax.axis_index("c")
    it = lax.iota(jnp.int32, 16)
    big = jnp.float32(_BIG)

    for kk in range(_NKP):
        bk_ref[pl.ds(kk * 16, 16)] = jnp.full((16,), big, jnp.float32)

    def chunk_body(q, carry):
        s = q * _C
        cps = (pltpu.async_copy(kpts_hbm.at[b, :, :, pl.ds(s, _C)], kc, sem),
               pltpu.async_copy(cpt_hbm.at[b, :, pl.ds(s, _C)], cc, sem),
               pltpu.async_copy(pcld_hbm.at[:, b, pl.ds(s, _C)], pc, sem),
               pltpu.async_copy(seg_hbm.at[b, :, pl.ds(s, _C)], sgc, sem))
        for cp in cps:
            cp.wait()

        def group_body(j, carry):
            sl = pl.ds(j * 16, 16)
            gp = q * _C + j * 16 + it
            s0 = sgc[0, sl]
            s1 = sgc[1, sl]
            obj = s1 > s0
            sent = jnp.float32(1e18) + gp.astype(jnp.float32) * jnp.float32(1e12)
            keys = []
            hit = None
            for kk in range(_NKP):
                if kk < 8:
                    x = kc[0, kk, sl]
                    y = kc[1, kk, sl]
                    z = kc[2, kk, sl]
                else:
                    x = cc[0, sl]
                    y = cc[1, sl]
                    z = cc[2, sl]
                n2 = x * x + y * y + z * z
                key = jnp.where(obj, n2, sent)
                keys.append((key, x, y, z))
                thv = plsc.load_gather(
                    bk_ref, [jnp.full((16,), kk * 16 + 9, jnp.int32)])
                h = key < thv
                hit = h if hit is None else (hit | h)

            @pl.when(jnp.any(hit))
            def _(keys=keys, sl=sl):
                p0 = pc[0, sl]
                p1 = pc[1, sl]
                p2 = pc[2, sl]
                for kk in range(_NKP):
                    key, x, y, z = keys[kk]
                    cx = p0 + x
                    cy = p1 + y
                    cz = p2 + z
                    bk = bk_ref[pl.ds(kk * 16, 16)]
                    bx = st[pl.ds(kk * 16, 16)]
                    by = st[pl.ds((_NKP + kk) * 16, 16)]
                    bz = st[pl.ds((2 * _NKP + kk) * 16, 16)]
                    sk, sx = plsc.sort_key_val(key, cx)
                    _, sy = plsc.sort_key_val(key, cy)
                    _, sz = plsc.sort_key_val(key, cz)
                    rk = lax.rev(sk, (0,))
                    take = bk <= rk
                    lo_k = jnp.where(take, bk, rk)
                    lo_x = jnp.where(take, bx, lax.rev(sx, (0,)))
                    lo_y = jnp.where(take, by, lax.rev(sy, (0,)))
                    lo_z = jnp.where(take, bz, lax.rev(sz, (0,)))
                    nk, nx = plsc.sort_key_val(lo_k, lo_x)
                    _, ny = plsc.sort_key_val(lo_k, lo_y)
                    _, nz = plsc.sort_key_val(lo_k, lo_z)
                    bk_ref[pl.ds(kk * 16, 16)] = nk
                    st[pl.ds(kk * 16, 16)] = nx
                    st[pl.ds((_NKP + kk) * 16, 16)] = ny
                    st[pl.ds((2 * _NKP + kk) * 16, 16)] = nz
            return 0

        return lax.fori_loop(0, _C // 16, group_body, 0)

    lax.fori_loop(0, n_points // _C, chunk_body, 0)
    pltpu.sync_copy(st, out_hbm.at[b])


def _cluster_kernel(g_ref, o_ref):
    g = g_ref[...]
    third = g.shape[0] // 3
    x = g[:third]
    y = g[third:2 * third]
    z = g[2 * third:]
    valid = lax.broadcasted_iota(jnp.int32, x.shape, 1) < _K
    inv_k = jnp.float32(1.0 / _K)
    eps = jnp.float32(1e-9)

    def stats(v):
        mean = jnp.sum(jnp.where(valid, v, 0.0), axis=1, keepdims=True) * inv_k
        d = v - mean
        std = jnp.sqrt(
            jnp.sum(jnp.where(valid, d * d, 0.0), axis=1, keepdims=True) * inv_k)
        return d, std

    dx, sx = stats(x)
    dy, sy = stats(y)
    dz, sz = stats(z)
    inl = (valid & (jnp.abs(dx) <= sx + eps) & (jnp.abs(dy) <= sy + eps)
           & (jnp.abs(dz) <= sz + eps))
    w = inl.astype(jnp.float32)
    denom = jnp.sum(w, axis=1, keepdims=True) + jnp.float32(1e-8)
    ox = jnp.sum(jnp.where(valid, x, 0.0) * w, axis=1, keepdims=True) / denom
    oy = jnp.sum(jnp.where(valid, y, 0.0) * w, axis=1, keepdims=True) / denom
    oz = jnp.sum(jnp.where(valid, z, 0.0) * w, axis=1, keepdims=True) / denom
    o_ref[...] = jnp.concatenate([ox, oy, oz], axis=1)


def kernel(pcld_input, kpts_pre_input, cpt_pre_input, seg_pre_input):
    b, n = pcld_input.shape[0], pcld_input.shape[1]
    kpts_t = jnp.transpose(kpts_pre_input, (0, 3, 2, 1))
    cpt_t = jnp.transpose(cpt_pre_input, (0, 3, 2, 1)).reshape(b, 3, n)
    pcld_t = jnp.transpose(pcld_input, (2, 0, 1))
    seg_t = jnp.transpose(seg_pre_input, (0, 2, 1))

    mesh = plsc.VectorSubcoreMesh(core_axis_name="c", subcore_axis_name="s")
    scan = pl.kernel(
        functools.partial(_sc_scan_body, n),
        mesh=mesh,
        compiler_params=pltpu.CompilerParams(needs_layout_passes=False),
        out_type=jax.ShapeDtypeStruct((b, 3 * _NKP * 16), jnp.float32),
        scratch_types=[
            pltpu.VMEM((3, 8, _C), jnp.float32),
            pltpu.VMEM((3, _C), jnp.float32),
            pltpu.VMEM((3, _C), jnp.float32),
            pltpu.VMEM((2, _C), jnp.float32),
            pltpu.VMEM((3 * _NKP * 16,), jnp.float32),
            pltpu.VMEM((_NKP * 16,), jnp.float32),
            pltpu.SemaphoreType.DMA,
        ],
    )
    g = scan(kpts_t, cpt_t, pcld_t, seg_t)
    g2 = g.reshape(b, 3, _NKP, 16).transpose(1, 0, 2, 3).reshape(3 * b * _NKP, 16)

    out = pl.pallas_call(
        _cluster_kernel,
        out_shape=jax.ShapeDtypeStruct((b * _NKP, 3), jnp.float32),
    )(g2)
    return out.reshape(b, _NKP, 3)

# --- scband reference (transcript-rebuilt; emitter-appended) ---
"""Pipeline reference for scband-initial-pose-model-31387620999481 (READ-ONLY COPY).

The authoritative reference and input builder live on the scoring server;
editing this copy changes nothing except your own understanding.
"""

import jax, jax.numpy as jnp
import numpy as np

N_CANDIDATES = 10
SIGMA = 1.0


def batch_get_pt_candidates(pcld, kpts_pre, seg_pre, cpt_pre, k):
    # pcld: [B, N, 3]; kpts_pre: [B, N, NK, 3]; cpt_pre: [B, N, 1, 3]; seg_pre: [B, N, 2]
    seg = jnp.argmax(seg_pre, axis=-1)                      # [B, N] object mask
    offsets = jnp.concatenate([kpts_pre, cpt_pre], axis=2)  # [B, N, NK+1, 3]
    offsets = jnp.transpose(offsets, (0, 2, 1, 3))          # [B, K, N, 3]
    candidates = pcld[:, None, :, :] + offsets              # voted positions [B, K, N, 3]
    ofst_norm = jnp.linalg.norm(offsets, axis=-1)           # [B, K, N]
    masked_norm = jnp.where(seg[:, None, :] == 1, ofst_norm,
                            jnp.full_like(ofst_norm, 1e9))  # drop background points
    _, idx = jax.lax.top_k(-masked_norm, k)                 # [B, K, k] smallest-offset object votes
    cand_sel = jnp.take_along_axis(candidates, idx[..., None], axis=2)  # [B, K, k, 3]
    return cand_sel


def batch_pts_clustering_with_std(kpts_cans, sigma=SIGMA):
    # kpts_cans: [B, K, k, 3]; reject outliers beyond sigma*std, then mean the inliers
    mean = jnp.mean(kpts_cans, axis=2, keepdims=True)
    std = jnp.std(kpts_cans, axis=2, keepdims=True)
    inlier = jnp.all(jnp.abs(kpts_cans - mean) <= sigma * std + 1e-9, axis=-1, keepdims=True)
    w = inlier.astype(kpts_cans.dtype)
    kpts_voted = jnp.sum(kpts_cans * w, axis=2) / (jnp.sum(w, axis=2) + 1e-8)
    return kpts_voted  # [B, K, 3]


def setup_inputs(seed: int = 0) -> dict:
    key = jax.random.key(seed)
    B, N, NK = 32, 16384, 8
    k1, k2, k3, k4 = jax.random.split(key, 4)
    pcld = jax.random.normal(k1, (B, N, 3), dtype=jnp.float32)
    kpts_pre = jax.random.normal(k2, (B, N, NK, 3), dtype=jnp.float32)
    cpt_pre = jax.random.normal(k3, (B, N, 1, 3), dtype=jnp.float32)
    seg_pre = jax.random.normal(k4, (B, N, 2), dtype=jnp.float32)
    return {"pcld_input": pcld, "kpts_pre_input": kpts_pre,
            "cpt_pre_input": cpt_pre, "seg_pre_input": seg_pre}


def reference(pcld_input, kpts_pre_input, cpt_pre_input, seg_pre_input):
    obj_kpts = batch_get_pt_candidates(pcld_input, kpts_pre_input, seg_pre_input,
                                       cpt_pre_input, N_CANDIDATES)
    kpts_voted = batch_pts_clustering_with_std(obj_kpts)
    return kpts_voted

if __name__ == "__main__":
    import jax
    _d = setup_inputs()
    print(jax.jit(kernel)(*tuple(_d.values())))

</pallas_src>

<mosaic_0001>
#map = affine_map<(d0, d1) -> (0, 0, 0, 0)>
#map1 = affine_map<(d0, d1) -> (0, 0, 0)>
#map2 = affine_map<(d0, d1) -> (0, 0)>
module attributes {stable_mosaic.version = 14 : i64} {
  func.func @_sc_scan_body(%arg0: i32, %arg1: i32, %arg2: memref<32x3x8x16384xf32, #tpu.memory_space<hbm>>, %arg3: memref<32x3x16384xf32, #tpu.memory_space<hbm>>, %arg4: memref<3x32x16384xf32, #tpu.memory_space<hbm>>, %arg5: memref<32x2x16384xf32, #tpu.memory_space<hbm>>, %arg6: memref<32x432xf32, #tpu.memory_space<hbm>>, %arg7: memref<3x8x2048xf32, #tpu.memory_space<vmem>>, %arg8: memref<3x2048xf32, #tpu.memory_space<vmem>>, %arg9: memref<3x2048xf32, #tpu.memory_space<vmem>>, %arg10: memref<2x2048xf32, #tpu.memory_space<vmem>>, %arg11: memref<432xf32, #tpu.memory_space<vmem>>, %arg12: memref<144xf32, #tpu.memory_space<vmem>>, %arg13: memref<!tpu.dma_semaphore, #tpu.memory_space<semaphore_mem>>) attributes {dimension_semantics = [#tpu.dimension_semantics<core_parallel>, #tpu.dimension_semantics<subcore_parallel>], iteration_bounds = array<i64: 2, 16>, scalar_prefetch = 0 : i64, scratch_operands = 7 : i64, tpu.core_type = #tpu.core_type<sc_vector_subcore>, window_params = [{transform_indices = #map}, {transform_indices = #map1}, {transform_indices = #map1}, {transform_indices = #map1}, {transform_indices = #map2}]} {
    %mul3A = arith.constant 2 : i32
    %mul3A_0 = arith.muli %arg1, %mul3A : i32
    %add3A = arith.addi %mul3A_0, %arg0 : i32
    %iota3A = tpu.iota {dimensions = array<i32: 0>} : vector<16xi32>
    %broadcast_in_dim3A = arith.constant 1.000000e+30 : f32
    %broadcast_in_dim3A_1 = vector.broadcast %broadcast_in_dim3A : f32 to vector<16xf32>
    %swap3A = arith.constant 0 : index
    %swap3A_2 = tpu.vector_load %arg12[%swap3A] {strides = array<i32>} : memref<144xf32, #tpu.memory_space<vmem>>, vector<16xf32>,
    tpu.vector_store %arg12[%swap3A], %broadcast_in_dim3A_1 {strides = array<i32>} : memref<144xf32, #tpu.memory_space<vmem>>, vector<16xf32>,
    %broadcast_in_dim3A_3 = arith.constant 1.000000e+30 : f32
    %broadcast_in_dim3A_4 = vector.broadcast %broadcast_in_dim3A_3 : f32 to vector<16xf32>
    %swap3A_5 = arith.constant 16 : index
    %swap3A_6 = tpu.vector_load %arg12[%swap3A_5] {strides = array<i32>} : memref<144xf32, #tpu.memory_space<vmem>>, vector<16xf32>,
    tpu.vector_store %arg12[%swap3A_5], %broadcast_in_dim3A_4 {strides = array<i32>} : memref<144xf32, #tpu.memory_space<vmem>>, vector<16xf32>,
    %broadcast_in_dim3A_7 = arith.constant 1.000000e+30 : f32
    %broadcast_in_dim3A_8 = vector.broadcast %broadcast_in_dim3A_7 : f32 to vector<16xf32>
    %swap3A_9 = arith.constant 32 : index
    %swap3A_10 = tpu.vector_load %arg12[%swap3A_9] {strides = array<i32>} : memref<144xf32, #tpu.memory_space<vmem>>, vector<16xf32>,
    tpu.vector_store %arg12[%swap3A_9], %broadcast_in_dim3A_8 {strides = array<i32>} : memref<144xf32, #tpu.memory_space<vmem>>, vector<16xf32>,
    %broadcast_in_dim3A_11 = arith.constant 1.000000e+30 : f32
    %broadcast_in_dim3A_12 = vector.broadcast %broadcast_in_dim3A_11 : f32 to vector<16xf32>
    %swap3A_13 = arith.constant 48 : index
    %swap3A_14 = tpu.vector_load %arg12[%swap3A_13] {strides = array<i32>} : memref<144xf32, #tpu.memory_space<vmem>>, vector<16xf32>,
    tpu.vector_store %arg12[%swap3A_13], %broadcast_in_dim3A_12 {strides = array<i32>} : memref<144xf32, #tpu.memory_space<vmem>>, vector<16xf32>,
    %broadcast_in_dim3A_15 = arith.constant 1.000000e+30 : f32
    %broadcast_in_dim3A_16 = vector.broadcast %broadcast_in_dim3A_15 : f32 to vector<16xf32>
    %swap3A_17 = arith.constant 64 : index
    %swap3A_18 = tpu.vector_load %arg12[%swap3A_17] {strides = array<i32>} : memref<144xf32, #tpu.memory_space<vmem>>, vector<16xf32>,
    tpu.vector_store %arg12[%swap3A_17], %broadcast_in_dim3A_16 {strides = array<i32>} : memref<144xf32, #tpu.memory_space<vmem>>, vector<16xf32>,
    %broadcast_in_dim3A_19 = arith.constant 1.000000e+30 : f32
    %broadcast_in_dim3A_20 = vector.broadcast %broadcast_in_dim3A_19 : f32 to vector<16xf32>
    %swap3A_21 = arith.constant 80 : index
    %swap3A_22 = tpu.vector_load %arg12[%swap3A_21] {strides = array<i32>} : memref<144xf32, #tpu.memory_space<vmem>>, vector<16xf32>,
    tpu.vector_store %arg12[%swap3A_21], %broadcast_in_dim3A_20 {strides = array<i32>} : memref<144xf32, #tpu.memory_space<vmem>>, vector<16xf32>,
    %broadcast_in_dim3A_23 = arith.constant 1.000000e+30 : f32
    %broadcast_in_dim3A_24 = vector.broadcast %broadcast_in_dim3A_23 : f32 to vector<16xf32>
    %swap3A_25 = arith.constant 96 : index
    %swap3A_26 = tpu.vector_load %arg12[%swap3A_25] {strides = array<i32>} : memref<144xf32, #tpu.memory_space<vmem>>, vector<16xf32>,
    tpu.vector_store %arg12[%swap3A_25], %broadcast_in_dim3A_24 {strides = array<i32>} : memref<144xf32, #tpu.memory_space<vmem>>, vector<16xf32>,
    %broadcast_in_dim3A_27 = arith.constant 1.000000e+30 : f32
    %broadcast_in_dim3A_28 = vector.broadcast %broadcast_in_dim3A_27 : f32 to vector<16xf32>
    %swap3A_29 = arith.constant 112 : index
    %swap3A_30 = tpu.vector_load %arg12[%swap3A_29] {strides = array<i32>} : memref<144xf32, #tpu.memory_space<vmem>>, vector<16xf32>,
    tpu.vector_store %arg12[%swap3A_29], %broadcast_in_dim3A_28 {strides = array<i32>} : memref<144xf32, #tpu.memory_space<vmem>>, vector<16xf32>,
    %broadcast_in_dim3A_31 = arith.constant 1.000000e+30 : f32
    %broadcast_in_dim3A_32 = vector.broadcast %broadcast_in_dim3A_31 : f32 to vector<16xf32>
    %swap3A_33 = arith.constant 128 : index
    %swap3A_34 = tpu.vector_load %arg12[%swap3A_33] {strides = array<i32>} : memref<144xf32, #tpu.memory_space<vmem>>, vector<16xf32>,
    tpu.vector_store %arg12[%swap3A_33], %broadcast_in_dim3A_32 {strides = array<i32>} : memref<144xf32, #tpu.memory_space<vmem>>, vector<16xf32>,
    %scan3A = arith.constant 0 : i32
    %scan3A_35 = arith.constant 0 : i32
    %scan3A_36 = arith.constant 8 : i32
    %scan3A_37 = arith.addi %scan3A_35, %scan3A_36 : i32
    %scan3A_38 = arith.constant 1 : i32
    %scan3A_39 = scf.for %scan3A_41 = %scan3A_35 to %scan3A_37 step %scan3A_38 iter_args(%scan3A_42 = %scan3A) -> (i32)  : i32 {
      %mul3A_43 = arith.constant 2048 : i32
      %mul3A_44 = arith.muli %scan3A_41, %mul3A_43 : i32
      %dma_start3A = arith.constant 0 : i32
      %dma_start3A_45 = arith.constant 0 : i32
      %dma_start3A_46 = tpu.memref_slice %arg2[%add3A, %dma_start3A, %dma_start3A_45, %mul3A_44] : memref<32x3x8x16384xf32, #tpu.memory_space<hbm>> -> memref<1x3x8x2048xf32, #tpu.memory_space<hbm>>
      %dma_start3A_47 = tpu.memref_squeeze %dma_start3A_46 : memref<1x3x8x2048xf32, #tpu.memory_space<hbm>> -> memref<3x8x2048xf32, #tpu.memory_space<hbm>>
      %dma_start3A_48 = arith.constant 0 : i32
      %dma_start3A_49 = arith.constant 0 : i32
      %dma_start3A_50 = tpu.memref_slice %arg2[%add3A, %dma_start3A_48, %dma_start3A_49, %mul3A_44] : memref<32x3x8x16384xf32, #tpu.memory_space<hbm>> -> memref<1x3x8x2048xf32, #tpu.memory_space<hbm>>
      %dma_start3A_51 = tpu.memref_squeeze %dma_start3A_50 : memref<1x3x8x2048xf32, #tpu.memory_space<hbm>> -> memref<3x8x2048xf32, #tpu.memory_space<hbm>>
      tpu.enqueue_dma source(%dma_start3A_51 : memref<3x8x2048xf32, #tpu.memory_space<hbm>>) target(%arg7 : memref<3x8x2048xf32, #tpu.memory_space<vmem>>) target_semaphore(%arg13 : memref<!tpu.dma_semaphore, #tpu.memory_space<semaphore_mem>>)
      %dma_start3A_52 = arith.constant 0 : i32
      %dma_start3A_53 = tpu.memref_slice %arg3[%add3A, %dma_start3A_52, %mul3A_44] : memref<32x3x16384xf32, #tpu.memory_space<hbm>> -> memref<1x3x2048xf32, #tpu.memory_space<hbm>>
      %dma_start3A_54 = tpu.memref_squeeze %dma_start3A_53 : memref<1x3x2048xf32, #tpu.memory_space<hbm>> -> memref<3x2048xf32, #tpu.memory_space<hbm>>
      %dma_start3A_55 = arith.constant 0 : i32
      %dma_start3A_56 = tpu.memref_slice %arg3[%add3A, %dma_start3A_55, %mul3A_44] : memref<32x3x16384xf32, #tpu.memory_space<hbm>> -> memref<1x3x2048xf32, #tpu.memory_space<hbm>>
      %dma_start3A_57 = tpu.memref_squeeze %dma_start3A_56 : memref<1x3x2048xf32, #tpu.memory_space<hbm>> -> memref<3x2048xf32, #tpu.memory_space<hbm>>
      tpu.enqueue_dma source(%dma_start3A_57 : memref<3x2048xf32, #tpu.memory_space<hbm>>) target(%arg8 : memref<3x2048xf32, #tpu.memory_space<vmem>>) target_semaphore(%arg13 : memref<!tpu.dma_semaphore, #tpu.memory_space<semaphore_mem>>)
      %dma_start3A_58 = arith.constant 0 : i32
      %dma_start3A_59 = tpu.memref_slice %arg4[%dma_start3A_58, %add3A, %mul3A_44] : memref<3x32x16384xf32, #tpu.memory_space<hbm>> -> memref<3x1x2048xf32, #tpu.memory_space<hbm>>
      %dma_start3A_60 = tpu.memref_squeeze %dma_start3A_59 : memref<3x1x2048xf32, #tpu.memory_space<hbm>> -> memref<3x2048xf32, #tpu.memory_space<hbm>>
      %dma_start3A_61 = arith.constant 0 : i32
      %dma_start3A_62 = tpu.memref_slice %arg4[%dma_start3A_61, %add3A, %mul3A_44] : memref<3x32x16384xf32, #tpu.memory_space<hbm>> -> memref<3x1x2048xf32, #tpu.memory_space<hbm>>
      %dma_start3A_63 = tpu.memref_squeeze %dma_start3A_62 : memref<3x1x2048xf32, #tpu.memory_space<hbm>> -> memref<3x2048xf32, #tpu.memory_space<hbm>>
      tpu.enqueue_dma source(%dma_start3A_63 : memref<3x2048xf32, #tpu.memory_space<hbm>>) target(%arg9 : memref<3x2048xf32, #tpu.memory_space<vmem>>) target_semaphore(%arg13 : memref<!tpu.dma_semaphore, #tpu.memory_space<semaphore_mem>>)
      %dma_start3A_64 = arith.constant 0 : i32
      %dma_start3A_65 = tpu.memref_slice %arg5[%add3A, %dma_start3A_64, %mul3A_44] : memref<32x2x16384xf32, #tpu.memory_space<hbm>> -> memref<1x2x2048xf32, #tpu.memory_space<hbm>>
      %dma_start3A_66 = tpu.memref_squeeze %dma_start3A_65 : memref<1x2x2048xf32, #tpu.memory_space<hbm>> -> memref<2x2048xf32, #tpu.memory_space<hbm>>
      %dma_start3A_67 = arith.constant 0 : i32
      %dma_start3A_68 = tpu.memref_slice %arg5[%add3A, %dma_start3A_67, %mul3A_44] : memref<32x2x16384xf32, #tpu.memory_space<hbm>> -> memref<1x2x2048xf32, #tpu.memory_space<hbm>>
      %dma_start3A_69 = tpu.memref_squeeze %dma_start3A_68 : memref<1x2x2048xf32, #tpu.memory_space<hbm>> -> memref<2x2048xf32, #tpu.memory_space<hbm>>
      tpu.enqueue_dma source(%dma_start3A_69 : memref<2x2048xf32, #tpu.memory_space<hbm>>) target(%arg10 : memref<2x2048xf32, #tpu.memory_space<vmem>>) target_semaphore(%arg13 : memref<!tpu.dma_semaphore, #tpu.memory_space<semaphore_mem>>)
      %dma_wait3A = arith.constant 0 : i32
      %dma_wait3A_70 = arith.constant 0 : i32
      %dma_wait3A_71 = tpu.memref_slice %arg2[%add3A, %dma_wait3A, %dma_wait3A_70, %mul3A_44] : memref<32x3x8x16384xf32, #tpu.memory_space<hbm>> -> memref<1x3x8x2048xf32, #tpu.memory_space<hbm>>
      %dma_wait3A_72 = tpu.memref_squeeze %dma_wait3A_71 : memref<1x3x8x2048xf32, #tpu.memory_space<hbm>> -> memref<3x8x2048xf32, #tpu.memory_space<hbm>>
      %dma_wait3A_73 = arith.constant 0 : i32
      %dma_wait3A_74 = arith.constant 0 : i32
      %dma_wait3A_75 = tpu.memref_slice %arg2[%add3A, %dma_wait3A_73, %dma_wait3A_74, %mul3A_44] : memref<32x3x8x16384xf32, #tpu.memory_space<hbm>> -> memref<1x3x8x2048xf32, #tpu.memory_space<hbm>>
      %dma_wait3A_76 = tpu.memref_squeeze %dma_wait3A_75 : memref<1x3x8x2048xf32, #tpu.memory_space<hbm>> -> memref<3x8x2048xf32, #tpu.memory_space<hbm>>
      tpu.wait_dma2 semaphore(%arg13 : memref<!tpu.dma_semaphore, #tpu.memory_space<semaphore_mem>>) src(%dma_wait3A_76 : memref<3x8x2048xf32, #tpu.memory_space<hbm>>) dst(%arg7 : memref<3x8x2048xf32, #tpu.memory_space<vmem>>)
      %dma_wait3A_77 = arith.constant 0 : i32
      %dma_wait3A_78 = tpu.memref_slice %arg3[%add3A, %dma_wait3A_77, %mul3A_44] : memref<32x3x16384xf32, #tpu.memory_space<hbm>> -> memref<1x3x2048xf32, #tpu.memory_space<hbm>>
      %dma_wait3A_79 = tpu.memref_squeeze %dma_wait3A_78 : memref<1x3x2048xf32, #tpu.memory_space<hbm>> -> memref<3x2048xf32, #tpu.memory_space<hbm>>
      %dma_wait3A_80 = arith.constant 0 : i32
      %dma_wait3A_81 = tpu.memref_slice %arg3[%add3A, %dma_wait3A_80, %mul3A_44] : memref<32x3x16384xf32, #tpu.memory_space<hbm>> -> memref<1x3x2048xf32, #tpu.memory_space<hbm>>
      %dma_wait3A_82 = tpu.memref_squeeze %dma_wait3A_81 : memref<1x3x2048xf32, #tpu.memory_space<hbm>> -> memref<3x2048xf32, #tpu.memory_space<hbm>>
      tpu.wait_dma2 semaphore(%arg13 : memref<!tpu.dma_semaphore, #tpu.memory_space<semaphore_mem>>) src(%dma_wait3A_82 : memref<3x2048xf32, #tpu.memory_space<hbm>>) dst(%arg8 : memref<3x2048xf32, #tpu.memory_space<vmem>>)
      %dma_wait3A_83 = arith.constant 0 : i32
      %dma_wait3A_84 = tpu.memref_slice %arg4[%dma_wait3A_83, %add3A, %mul3A_44] : memref<3x32x16384xf32, #tpu.memory_space<hbm>> -> memref<3x1x2048xf32, #tpu.memory_space<hbm>>
      %dma_wait3A_85 = tpu.memref_squeeze %dma_wait3A_84 : memref<3x1x2048xf32, #tpu.memory_space<hbm>> -> memref<3x2048xf32, #tpu.memory_space<hbm>>
      %dma_wait3A_86 = arith.constant 0 : i32
      %dma_wait3A_87 = tpu.memref_slice %arg4[%dma_wait3A_86, %add3A, %mul3A_44] : memref<3x32x16384xf32, #tpu.memory_space<hbm>> -> memref<3x1x2048xf32, #tpu.memory_space<hbm>>
      %dma_wait3A_88 = tpu.memref_squeeze %dma_wait3A_87 : memref<3x1x2048xf32, #tpu.memory_space<hbm>> -> memref<3x2048xf32, #tpu.memory_space<hbm>>
      tpu.wait_dma2 semaphore(%arg13 : memref<!tpu.dma_semaphore, #tpu.memory_space<semaphore_mem>>) src(%dma_wait3A_88 : memref<3x2048xf32, #tpu.memory_space<hbm>>) dst(%arg9 : memref<3x2048xf32, #tpu.memory_space<vmem>>)
      %dma_wait3A_89 = arith.constant 0 : i32
      %dma_wait3A_90 = tpu.memref_slice %arg5[%add3A, %dma_wait3A_89, %mul3A_44] : memref<32x2x16384xf32, #tpu.memory_space<hbm>> -> memref<1x2x2048xf32, #tpu.memory_space<hbm>>
      %dma_wait3A_91 = tpu.memref_squeeze %dma_wait3A_90 : memref<1x2x2048xf32, #tpu.memory_space<hbm>> -> memref<2x2048xf32, #tpu.memory_space<hbm>>
      %dma_wait3A_92 = arith.constant 0 : i32
      %dma_wait3A_93 = tpu.memref_slice %arg5[%add3A, %dma_wait3A_92, %mul3A_44] : memref<32x2x16384xf32, #tpu.memory_space<hbm>> -> memref<1x2x2048xf32, #tpu.memory_space<hbm>>
      %dma_wait3A_94 = tpu.memref_squeeze %dma_wait3A_93 : memref<1x2x2048xf32, #tpu.memory_space<hbm>> -> memref<2x2048xf32, #tpu.memory_space<hbm>>
      tpu.wait_dma2 semaphore(%arg13 : memref<!tpu.dma_semaphore, #tpu.memory_space<semaphore_mem>>) src(%dma_wait3A_94 : memref<2x2048xf32, #tpu.memory_space<hbm>>) dst(%arg10 : memref<2x2048xf32, #tpu.memory_space<vmem>>)
      %scan3A_95 = arith.constant 0 : i32
      %scan3A_96 = arith.constant 0 : i32
      %scan3A_97 = arith.constant 128 : i32
      %scan3A_98 = arith.addi %scan3A_96, %scan3A_97 : i32
      %scan3A_99 = arith.constant 1 : i32
      %scan3A_100 = scf.for %scan3A_102 = %scan3A_96 to %scan3A_98 step %scan3A_99 iter_args(%scan3A_103 = %scan3A_95) -> (i32)  : i32 {
        %mul3A_104 = arith.constant 16 : i32
        %mul3A_105 = arith.muli %scan3A_102, %mul3A_104 : i32
        %mul3A_106 = arith.constant 2048 : i32
        %mul3A_107 = arith.muli %scan3A_41, %mul3A_106 : i32
        %mul3A_108 = arith.constant 16 : i32
        %mul3A_109 = arith.muli %scan3A_102, %mul3A_108 : i32
        %add3A_110 = arith.addi %mul3A_107, %mul3A_109 : i32
        %add3A_111 = vector.broadcast %add3A_110 : i32 to vector<16xi32>
        %add3A_112 = arith.addi %add3A_111, %iota3A : vector<16xi32>
        %get3A = arith.constant 0 : i32
        %get3A_113 = arith.index_cast %get3A : i32 to index
        %get3A_114 = arith.index_cast %mul3A_105 : i32 to index
        %get3A_115 = tpu.vector_load %arg10[%get3A_113, %get3A_114] {strides = array<i32>} : memref<2x2048xf32, #tpu.memory_space<vmem>>, vector<16xf32>,
        %get3A_116 = arith.constant 1 : i32
        %get3A_117 = arith.index_cast %get3A_116 : i32 to index
        %get3A_118 = arith.index_cast %mul3A_105 : i32 to index
        %get3A_119 = tpu.vector_load %arg10[%get3A_117, %get3A_118] {strides = array<i32>} : memref<2x2048xf32, #tpu.memory_space<vmem>>, vector<16xf32>,
        %gt3A = arith.cmpf ogt, %get3A_119, %get3A_115 : vector<16xf32>
        %convert_element_type3A = arith.sitofp %add3A_112 : vector<16xi32> to vector<16xf32>
        %mul3A_120 = arith.constant 9.99999995E+11 : f32
        %mul3A_121 = vector.broadcast %mul3A_120 : f32 to vector<16xf32>
        %mul3A_122 = arith.mulf %convert_element_type3A, %mul3A_121 : vector<16xf32>
        %add3A_123 = arith.constant 9.99999984E+17 : f32
        %add3A_124 = vector.broadcast %add3A_123 : f32 to vector<16xf32>
        %add3A_125 = arith.addf %add3A_124, %mul3A_122 : vector<16xf32>
        %get3A_126 = arith.constant 0 : i32
        %get3A_127 = arith.constant 0 : i32
        %get3A_128 = arith.index_cast %get3A_126 : i32 to index
        %get3A_129 = arith.index_cast %get3A_127 : i32 to index
        %get3A_130 = arith.index_cast %mul3A_105 : i32 to index
        %get3A_131 = tpu.vector_load %arg7[%get3A_128, %get3A_129, %get3A_130] {strides = array<i32>} : memref<3x8x2048xf32, #tpu.memory_space<vmem>>, vector<16xf32>,
        %get3A_132 = arith.constant 1 : i32
        %get3A_133 = arith.constant 0 : i32
        %get3A_134 = arith.index_cast %get3A_132 : i32 to index
        %get3A_135 = arith.index_cast %get3A_133 : i32 to index
        %get3A_136 = arith.index_cast %mul3A_105 : i32 to index
        %get3A_137 = tpu.vector_load %arg7[%get3A_134, %get3A_135, %get3A_136] {strides = array<i32>} : memref<3x8x2048xf32, #tpu.memory_space<vmem>>, vector<16xf32>,
        %get3A_138 = arith.constant 2 : i32
        %get3A_139 = arith.constant 0 : i32
        %get3A_140 = arith.index_cast %get3A_138 : i32 to index
        %get3A_141 = arith.index_cast %get3A_139 : i32 to index
        %get3A_142 = arith.index_cast %mul3A_105 : i32 to index
        %get3A_143 = tpu.vector_load %arg7[%get3A_140, %get3A_141, %get3A_142] {strides = array<i32>} : memref<3x8x2048xf32, #tpu.memory_space<vmem>>, vector<16xf32>,
        %mul3A_144 = arith.mulf %get3A_131, %get3A_131 : vector<16xf32>
        %mul3A_145 = arith.mulf %get3A_137, %get3A_137 : vector<16xf32>
        %add3A_146 = arith.addf %mul3A_144, %mul3A_145 : vector<16xf32>
        %mul3A_147 = arith.mulf %get3A_143, %get3A_143 : vector<16xf32>
        %add3A_148 = arith.addf %add3A_146, %mul3A_147 : vector<16xf32>
        %select_n3A = arith.select %gt3A, %add3A_148, %add3A_125 : vector<16xi1>, vector<16xf32>
        %broadcast_in_dim3A_149 = arith.constant 9 : i32
        %broadcast_in_dim3A_150 = vector.broadcast %broadcast_in_dim3A_149 : i32 to vector<16xi32>
        %gather3A = tpu.vector_load_idx %arg12[%broadcast_in_dim3A_150] : memref<144xf32, #tpu.memory_space<vmem>>[vector<16xi32>], vector<16xf32>,
        %lt3A = arith.cmpf olt, %select_n3A, %gather3A : vector<16xf32>
        %get3A_151 = arith.constant 0 : i32
        %get3A_152 = arith.constant 1 : i32
        %get3A_153 = arith.index_cast %get3A_151 : i32 to index
        %get3A_154 = arith.index_cast %get3A_152 : i32 to index
        %get3A_155 = arith.index_cast %mul3A_105 : i32 to index
        %get3A_156 = tpu.vector_load %arg7[%get3A_153, %get3A_154, %get3A_155] {strides = array<i32>} : memref<3x8x2048xf32, #tpu.memory_space<vmem>>, vector<16xf32>,
        %get3A_157 = arith.constant 1 : i32
        %get3A_158 = arith.constant 1 : i32
        %get3A_159 = arith.index_cast %get3A_157 : i32 to index
        %get3A_160 = arith.index_cast %get3A_158 : i32 to index
        %get3A_161 = arith.index_cast %mul3A_105 : i32 to index
        %get3A_162 = tpu.vector_load %arg7[%get3A_159, %get3A_160, %get3A_161] {strides = array<i32>} : memref<3x8x2048xf32, #tpu.memory_space<vmem>>, vector<16xf32>,
        %get3A_163 = arith.constant 2 : i32
        %get3A_164 = arith.constant 1 : i32
        %get3A_165 = arith.index_cast %get3A_163 : i32 to index
        %get3A_166 = arith.index_cast %get3A_164 : i32 to index
        %get3A_167 = arith.index_cast %mul3A_105 : i32 to index
        %get3A_168 = tpu.vector_load %arg7[%get3A_165, %get3A_166, %get3A_167] {strides = array<i32>} : memref<3x8x2048xf32, #tpu.memory_space<vmem>>, vector<16xf32>,
        %mul3A_169 = arith.mulf %get3A_156, %get3A_156 : vector<16xf32>
        %mul3A_170 = arith.mulf %get3A_162, %get3A_162 : vector<16xf32>
        %add3A_171 = arith.addf %mul3A_169, %mul3A_170 : vector<16xf32>
        %mul3A_172 = arith.mulf %get3A_168, %get3A_168 : vector<16xf32>
        %add3A_173 = arith.addf %add3A_171, %mul3A_172 : vector<16xf32>
        %select_n3A_174 = arith.select %gt3A, %add3A_173, %add3A_125 : vector<16xi1>, vector<16xf32>
        %broadcast_in_dim3A_175 = arith.constant 25 : i32
        %broadcast_in_dim3A_176 = vector.broadcast %broadcast_in_dim3A_175 : i32 to vector<16xi32>
        %gather3A_177 = tpu.vector_load_idx %arg12[%broadcast_in_dim3A_176] : memref<144xf32, #tpu.memory_space<vmem>>[vector<16xi32>], vector<16xf32>,
        %lt3A_178 = arith.cmpf olt, %select_n3A_174, %gather3A_177 : vector<16xf32>
        %or3A = arith.ori %lt3A, %lt3A_178 : vector<16xi1>
        %get3A_179 = arith.constant 0 : i32
        %get3A_180 = arith.constant 2 : i32
        %get3A_181 = arith.index_cast %get3A_179 : i32 to index
        %get3A_182 = arith.index_cast %get3A_180 : i32 to index
        %get3A_183 = arith.index_cast %mul3A_105 : i32 to index
        %get3A_184 = tpu.vector_load %arg7[%get3A_181, %get3A_182, %get3A_183] {strides = array<i32>} : memref<3x8x2048xf32, #tpu.memory_space<vmem>>, vector<16xf32>,
        %get3A_185 = arith.constant 1 : i32
        %get3A_186 = arith.constant 2 : i32
        %get3A_187 = arith.index_cast %get3A_185 : i32 to index
        %get3A_188 = arith.index_cast %get3A_186 : i32 to index
        %get3A_189 = arith.index_cast %mul3A_105 : i32 to index
        %get3A_190 = tpu.vector_load %arg7[%get3A_187, %get3A_188, %get3A_189] {strides = array<i32>} : memref<3x8x2048xf32, #tpu.memory_space<vmem>>, vector<16xf32>,
        %get3A_191 = arith.constant 2 : i32
        %get3A_192 = arith.constant 2 : i32
        %get3A_193 = arith.index_cast %get3A_191 : i32 to index
        %get3A_194 = arith.index_cast %get3A_192 : i32 to index
        %get3A_195 = arith.index_cast %mul3A_105 : i32 to index
        %get3A_196 = tpu.vector_load %arg7[%get3A_193, %get3A_194, %get3A_195] {strides = array<i32>} : memref<3x8x2048xf32, #tpu.memory_space<vmem>>, vector<16xf32>,
        %mul3A_197 = arith.mulf %get3A_184, %get3A_184 : vector<16xf32>
        %mul3A_198 = arith.mulf %get3A_190, %get3A_190 : vector<16xf32>
        %add3A_199 = arith.addf %mul3A_197, %mul3A_198 : vector<16xf32>
        %mul3A_200 = arith.mulf %get3A_196, %get3A_196 : vector<16xf32>
        %add3A_201 = arith.addf %add3A_199, %mul3A_200 : vector<16xf32>
        %select_n3A_202 = arith.select %gt3A, %add3A_201, %add3A_125 : vector<16xi1>, vector<16xf32>
        %broadcast_in_dim3A_203 = arith.constant 41 : i32
        %broadcast_in_dim3A_204 = vector.broadcast %broadcast_in_dim3A_203 : i32 to vector<16xi32>
        %gather3A_205 = tpu.vector_load_idx %arg12[%broadcast_in_dim3A_204] : memref<144xf32, #tpu.memory_space<vmem>>[vector<16xi32>], vector<16xf32>,
        %lt3A_206 = arith.cmpf olt, %select_n3A_202, %gather3A_205 : vector<16xf32>
        %or3A_207 = arith.ori %or3A, %lt3A_206 : vector<16xi1>
        %get3A_208 = arith.constant 0 : i32
        %get3A_209 = arith.constant 3 : i32
        %get3A_210 = arith.index_cast %get3A_208 : i32 to index
        %get3A_211 = arith.index_cast %get3A_209 : i32 to index
        %get3A_212 = arith.index_cast %mul3A_105 : i32 to index
        %get3A_213 = tpu.vector_load %arg7[%get3A_210, %get3A_211, %get3A_212] {strides = array<i32>} : memref<3x8x2048xf32, #tpu.memory_space<vmem>>, vector<16xf32>,
        %get3A_214 = arith.constant 1 : i32
        %get3A_215 = arith.constant 3 : i32
        %get3A_216 = arith.index_cast %get3A_214 : i32 to index
        %get3A_217 = arith.index_cast %get3A_215 : i32 to index
        %get3A_218 = arith.index_cast %mul3A_105 : i32 to index
        %get3A_219 = tpu.vector_load %arg7[%get3A_216, %get3A_217, %get3A_218] {strides = array<i32>} : memref<3x8x2048xf32, #tpu.memory_space<vmem>>, vector<16xf32>,
        %get3A_220 = arith.constant 2 : i32
        %get3A_221 = arith.constant 3 : i32
        %get3A_222 = arith.index_cast %get3A_220 : i32 to index
        %get3A_223 = arith.index_cast %get3A_221 : i32 to index
        %get3A_224 = arith.index_cast %mul3A_105 : i32 to index
        %get3A_225 = tpu.vector_load %arg7[%get3A_222, %get3A_223, %get3A_224] {strides = array<i32>} : memref<3x8x2048xf32, #tpu.memory_space<vmem>>, vector<16xf32>,
        %mul3A_226 = arith.mulf %get3A_213, %get3A_213 : vector<16xf32>
        %mul3A_227 = arith.mulf %get3A_219, %get3A_219 : vector<16xf32>
        %add3A_228 = arith.addf %mul3A_226, %mul3A_227 : vector<16xf32>
        %mul3A_229 = arith.mulf %get3A_225, %get3A_225 : vector<16xf32>
        %add3A_230 = arith.addf %add3A_228, %mul3A_229 : vector<16xf32>
        %select_n3A_231 = arith.select %gt3A, %add3A_230, %add3A_125 : vector<16xi1>, vector<16xf32>
        %broadcast_in_dim3A_232 = arith.constant 57 : i32
        %broadcast_in_dim3A_233 = vector.broadcast %broadcast_in_dim3A_232 : i32 to vector<16xi32>
        %gather3A_234 = tpu.vector_load_idx %arg12[%broadcast_in_dim3A_233] : memref<144xf32, #tpu.memory_space<vmem>>[vector<16xi32>], vector<16xf32>,
        %lt3A_235 = arith.cmpf olt, %select_n3A_231, %gather3A_234 : vector<16xf32>
        %or3A_236 = arith.ori %or3A_207, %lt3A_235 : vector<16xi1>
        %get3A_237 = arith.constant 0 : i32
        %get3A_238 = arith.constant 4 : i32
        %get3A_239 = arith.index_cast %get3A_237 : i32 to index
        %get3A_240 = arith.index_cast %get3A_238 : i32 to index
        %get3A_241 = arith.index_cast %mul3A_105 : i32 to index
        %get3A_242 = tpu.vector_load %arg7[%get3A_239, %get3A_240, %get3A_241] {strides = array<i32>} : memref<3x8x2048xf32, #tpu.memory_space<vmem>>, vector<16xf32>,
        %get3A_243 = arith.constant 1 : i32
        %get3A_244 = arith.constant 4 : i32
        %get3A_245 = arith.index_cast %get3A_243 : i32 to index
        %get3A_246 = arith.index_cast %get3A_244 : i32 to index
        %get3A_247 = arith.index_cast %mul3A_105 : i32 to index
        %get3A_248 = tpu.vector_load %arg7[%get3A_245, %get3A_246, %get3A_247] {strides = array<i32>} : memref<3x8x2048xf32, #tpu.memory_space<vmem>>, vector<16xf32>,
        %get3A_249 = arith.constant 2 : i32
        %get3A_250 = arith.constant 4 : i32
        %get3A_251 = arith.index_cast %get3A_249 : i32 to index
        %get3A_252 = arith.index_cast %get3A_250 : i32 to index
        %get3A_253 = arith.index_cast %mul3A_105 : i32 to index
        %get3A_254 = tpu.vector_load %arg7[%get3A_251, %get3A_252, %get3A_253] {strides = array<i32>} : memref<3x8x2048xf32, #tpu.memory_space<vmem>>, vector<16xf32>,
        %mul3A_255 = arith.mulf %get3A_242, %get3A_242 : vector<16xf32>
        %mul3A_256 = arith.mulf %get3A_248, %get3A_248 : vector<16xf32>
        %add3A_257 = arith.addf %mul3A_255, %mul3A_256 : vector<16xf32>
        %mul3A_258 = arith.mulf %get3A_254, %get3A_254 : vector<16xf32>
        %add3A_259 = arith.addf %add3A_257, %mul3A_258 : vector<16xf32>
        %select_n3A_260 = arith.select %gt3A, %add3A_259, %add3A_125 : vector<16xi1>, vector<16xf32>
        %broadcast_in_dim3A_261 = arith.constant 73 : i32
        %broadcast_in_dim3A_262 = vector.broadcast %broadcast_in_dim3A_261 : i32 to vector<16xi32>
        %gather3A_263 = tpu.vector_load_idx %arg12[%broadcast_in_dim3A_262] : memref<144xf32, #tpu.memory_space<vmem>>[vector<16xi32>], vector<16xf32>,
        %lt3A_264 = arith.cmpf olt, %select_n3A_260, %gather3A_263 : vector<16xf32>
        %or3A_265 = arith.ori %or3A_236, %lt3A_264 : vector<16xi1>
        %get3A_266 = arith.constant 0 : i32
        %get3A_267 = arith.constant 5 : i32
        %get3A_268 = arith.index_cast %get3A_266 : i32 to index
        %get3A_269 = arith.index_cast %get3A_267 : i32 to index
        %get3A_270 = arith.index_cast %mul3A_105 : i32 to index
        %get3A_271 = tpu.vector_load %arg7[%get3A_268, %get3A_269, %get3A_270] {strides = array<i32>} : memref<3x8x2048xf32, #tpu.memory_space<vmem>>, vector<16xf32>,
        %get3A_272 = arith.constant 1 : i32
        %get3A_273 = arith.constant 5 : i32
        %get3A_274 = arith.index_cast %get3A_272 : i32 to index
        %get3A_275 = arith.index_cast %get3A_273 : i32 to index
        %get3A_276 = arith.index_cast %mul3A_105 : i32 to index
        %get3A_277 = tpu.vector_load %arg7[%get3A_274, %get3A_275, %get3A_276] {strides = array<i32>} : memref<3x8x2048xf32, #tpu.memory_space<vmem>>, vector<16xf32>,
        %get3A_278 = arith.constant 2 : i32
        %get3A_279 = arith.constant 5 : i32
        %get3A_280 = arith.index_cast %get3A_278 : i32 to index
        %get3A_281 = arith.index_cast %get3A_279 : i32 to index
        %get3A_282 = arith.index_cast %mul3A_105 : i32 to index
        %get3A_283 = tpu.vector_load %arg7[%get3A_280, %get3A_281, %get3A_282] {strides = array<i32>} : memref<3x8x2048xf32, #tpu.memory_space<vmem>>, vector<16xf32>,
        %mul3A_284 = arith.mulf %get3A_271, %get3A_271 : vector<16xf32>
        %mul3A_285 = arith.mulf %get3A_277, %get3A_277 : vector<16xf32>
        %add3A_286 = arith.addf %mul3A_284, %mul3A_285 : vector<16xf32>
        %mul3A_287 = arith.mulf %get3A_283, %get3A_283 : vector<16xf32>
        %add3A_288 = arith.addf %add3A_286, %mul3A_287 : vector<16xf32>
        %select_n3A_289 = arith.select %gt3A, %add3A_288, %add3A_125 : vector<16xi1>, vector<16xf32>
        %broadcast_in_dim3A_290 = arith.constant 89 : i32
        %broadcast_in_dim3A_291 = vector.broadcast %broadcast_in_dim3A_290 : i32 to vector<16xi32>
        %gather3A_292 = tpu.vector_load_idx %arg12[%broadcast_in_dim3A_291] : memref<144xf32, #tpu.memory_space<vmem>>[vector<16xi32>], vector<16xf32>,
        %lt3A_293 = arith.cmpf olt, %select_n3A_289, %gather3A_292 : vector<16xf32>
        %or3A_294 = arith.ori %or3A_265, %lt3A_293 : vector<16xi1>
        %get3A_295 = arith.constant 0 : i32
        %get3A_296 = arith.constant 6 : i32
        %get3A_297 = arith.index_cast %get3A_295 : i32 to index
        %get3A_298 = arith.index_cast %get3A_296 : i32 to index
        %get3A_299 = arith.index_cast %mul3A_105 : i32 to index
        %get3A_300 = tpu.vector_load %arg7[%get3A_297, %get3A_298, %get3A_299] {strides = array<i32>} : memref<3x8x2048xf32, #tpu.memory_space<vmem>>, vector<16xf32>,
        %get3A_301 = arith.constant 1 : i32
        %get3A_302 = arith.constant 6 : i32
        %get3A_303 = arith.index_cast %get3A_301 : i32 to index
        %get3A_304 = arith.index_cast %get3A_302 : i32 to index
        %get3A_305 = arith.index_cast %mul3A_105 : i32 to index
        %get3A_306 = tpu.vector_load %arg7[%get3A_303, %get3A_304, %get3A_305] {strides = array<i32>} : memref<3x8x2048xf32, #tpu.memory_space<vmem>>, vector<16xf32>,
        %get3A_307 = arith.constant 2 : i32
        %get3A_308 = arith.constant 6 : i32
        %get3A_309 = arith.index_cast %get3A_307 : i32 to index
        %get3A_310 = arith.index_cast %get3A_308 : i32 to index
        %get3A_311 = arith.index_cast %mul3A_105 : i32 to index
        %get3A_312 = tpu.vector_load %arg7[%get3A_309, %get3A_310, %get3A_311] {strides = array<i32>} : memref<3x8x2048xf32, #tpu.memory_space<vmem>>, vector<16xf32>,
        %mul3A_313 = arith.mulf %get3A_300, %get3A_300 : vector<16xf32>
        %mul3A_314 = arith.mulf %get3A_306, %get3A_306 : vector<16xf32>
        %add3A_315 = arith.addf %mul3A_313, %mul3A_314 : vector<16xf32>
        %mul3A_316 = arith.mulf %get3A_312, %get3A_312 : vector<16xf32>
        %add3A_317 = arith.addf %add3A_315, %mul3A_316 : vector<16xf32>
        %select_n3A_318 = arith.select %gt3A, %add3A_317, %add3A_125 : vector<16xi1>, vector<16xf32>
        %broadcast_in_dim3A_319 = arith.constant 105 : i32
        %broadcast_in_dim3A_320 = vector.broadcast %broadcast_in_dim3A_319 : i32 to vector<16xi32>
        %gather3A_321 = tpu.vector_load_idx %arg12[%broadcast_in_dim3A_320] : memref<144xf32, #tpu.memory_space<vmem>>[vector<16xi32>], vector<16xf32>,
        %lt3A_322 = arith.cmpf olt, %select_n3A_318, %gather3A_321 : vector<16xf32>
        %or3A_323 = arith.ori %or3A_294, %lt3A_322 : vector<16xi1>
        %get3A_324 = arith.constant 0 : i32
        %get3A_325 = arith.constant 7 : i32
        %get3A_326 = arith.index_cast %get3A_324 : i32 to index
        %get3A_327 = arith.index_cast %get3A_325 : i32 to index
        %get3A_328 = arith.index_cast %mul3A_105 : i32 to index
        %get3A_329 = tpu.vector_load %arg7[%get3A_326, %get3A_327, %get3A_328] {strides = array<i32>} : memref<3x8x2048xf32, #tpu.memory_space<vmem>>, vector<16xf32>,
        %get3A_330 = arith.constant 1 : i32
        %get3A_331 = arith.constant 7 : i32
        %get3A_332 = arith.index_cast %get3A_330 : i32 to index
        %get3A_333 = arith.index_cast %get3A_331 : i32 to index
        %get3A_334 = arith.index_cast %mul3A_105 : i32 to index
        %get3A_335 = tpu.vector_load %arg7[%get3A_332, %get3A_333, %get3A_334] {strides = array<i32>} : memref<3x8x2048xf32, #tpu.memory_space<vmem>>, vector<16xf32>,
        %get3A_336 = arith.constant 2 : i32
        %get3A_337 = arith.constant 7 : i32
        %get3A_338 = arith.index_cast %get3A_336 : i32 to index
        %get3A_339 = arith.index_cast %get3A_337 : i32 to index
        %get3A_340 = arith.index_cast %mul3A_105 : i32 to index
        %get3A_341 = tpu.vector_load %arg7[%get3A_338, %get3A_339, %get3A_340] {strides = array<i32>} : memref<3x8x2048xf32, #tpu.memory_space<vmem>>, vector<16xf32>,
        %mul3A_342 = arith.mulf %get3A_329, %get3A_329 : vector<16xf32>
        %mul3A_343 = arith.mulf %get3A_335, %get3A_335 : vector<16xf32>
        %add3A_344 = arith.addf %mul3A_342, %mul3A_343 : vector<16xf32>
        %mul3A_345 = arith.mulf %get3A_341, %get3A_341 : vector<16xf32>
        %add3A_346 = arith.addf %add3A_344, %mul3A_345 : vector<16xf32>
        %select_n3A_347 = arith.select %gt3A, %add3A_346, %add3A_125 : vector<16xi1>, vector<16xf32>
        %broadcast_in_dim3A_348 = arith.constant 121 : i32
        %broadcast_in_dim3A_349 = vector.broadcast %broadcast_in_dim3A_348 : i32 to vector<16xi32>
        %gather3A_350 = tpu.vector_load_idx %arg12[%broadcast_in_dim3A_349] : memref<144xf32, #tpu.memory_space<vmem>>[vector<16xi32>], vector<16xf32>,
        %lt3A_351 = arith.cmpf olt, %select_n3A_347, %gather3A_350 : vector<16xf32>
        %or3A_352 = arith.ori %or3A_323, %lt3A_351 : vector<16xi1>
        %get3A_353 = arith.constant 0 : i32
        %get3A_354 = arith.index_cast %get3A_353 : i32 to index
        %get3A_355 = arith.index_cast %mul3A_105 : i32 to index
        %get3A_356 = tpu.vector_load %arg8[%get3A_354, %get3A_355] {strides = array<i32>} : memref<3x2048xf32, #tpu.memory_space<vmem>>, vector<16xf32>,
        %get3A_357 = arith.constant 1 : i32
        %get3A_358 = arith.index_cast %get3A_357 : i32 to index
        %get3A_359 = arith.index_cast %mul3A_105 : i32 to index
        %get3A_360 = tpu.vector_load %arg8[%get3A_358, %get3A_359] {strides = array<i32>} : memref<3x2048xf32, #tpu.memory_space<vmem>>, vector<16xf32>,
        %get3A_361 = arith.constant 2 : i32
        %get3A_362 = arith.index_cast %get3A_361 : i32 to index
        %get3A_363 = arith.index_cast %mul3A_105 : i32 to index
        %get3A_364 = tpu.vector_load %arg8[%get3A_362, %get3A_363] {strides = array<i32>} : memref<3x2048xf32, #tpu.memory_space<vmem>>, vector<16xf32>,
        %mul3A_365 = arith.mulf %get3A_356, %get3A_356 : vector<16xf32>
        %mul3A_366 = arith.mulf %get3A_360, %get3A_360 : vector<16xf32>
        %add3A_367 = arith.addf %mul3A_365, %mul3A_366 : vector<16xf32>
        %mul3A_368 = arith.mulf %get3A_364, %get3A_364 : vector<16xf32>
        %add3A_369 = arith.addf %add3A_367, %mul3A_368 : vector<16xf32>
        %select_n3A_370 = arith.select %gt3A, %add3A_369, %add3A_125 : vector<16xi1>, vector<16xf32>
        %broadcast_in_dim3A_371 = arith.constant 137 : i32
        %broadcast_in_dim3A_372 = vector.broadcast %broadcast_in_dim3A_371 : i32 to vector<16xi32>
        %gather3A_373 = tpu.vector_load_idx %arg12[%broadcast_in_dim3A_372] : memref<144xf32, #tpu.memory_space<vmem>>[vector<16xi32>], vector<16xf32>,
        %lt3A_374 = arith.cmpf olt, %select_n3A_370, %gather3A_373 : vector<16xf32>
        %or3A_375 = arith.ori %or3A_352, %lt3A_374 : vector<16xi1>
        %reduce_or3A = arith.constant 1.000000e+00 : f32
        %reduce_or3A_376 = arith.constant 0.000000e+00 : f32
        %reduce_or3A_377 = vector.broadcast %reduce_or3A : f32 to vector<16xf32>
        %reduce_or3A_378 = vector.broadcast %reduce_or3A_376 : f32 to vector<16xf32>
        %reduce_or3A_379 = arith.select %or3A_375, %reduce_or3A_377, %reduce_or3A_378 : vector<16xi1>, vector<16xf32>
        %reduce_or3A_380 = arith.constant true
        %reduce_or3A_381 = vector.broadcast %reduce_or3A_380 : i1 to vector<16xi1>
        %reduce_or3A_382 = tpu.scan <max>, %reduce_or3A_379 masked %reduce_or3A_381 : vector<16xf32>, vector<16xi1> -> vector<16xf32>
        %reduce_or3A_383 = vector.extract %reduce_or3A_382[15] : f32 from vector<16xf32>
        %reduce_or3A_384 = arith.constant 0.000000e+00 : f32
        %reduce_or3A_385 = arith.cmpf ogt, %reduce_or3A_383, %reduce_or3A_384 : f32
        %convert_element_type3A_386 = arith.extui %reduce_or3A_385 : i1 to i32
        %cond3A = arith.constant 0 : i32
        %cond3A_387 = arith.cmpi ne, %convert_element_type3A_386, %cond3A : i32
        scf.if %cond3A_387 {
          %get3A_389 = arith.constant 0 : i32
          %get3A_390 = arith.index_cast %get3A_389 : i32 to index
          %get3A_391 = arith.index_cast %mul3A_105 : i32 to index
          %get3A_392 = tpu.vector_load %arg9[%get3A_390, %get3A_391] {strides = array<i32>} : memref<3x2048xf32, #tpu.memory_space<vmem>>, vector<16xf32>,
          %get3A_393 = arith.constant 1 : i32
          %get3A_394 = arith.index_cast %get3A_393 : i32 to index
          %get3A_395 = arith.index_cast %mul3A_105 : i32 to index
          %get3A_396 = tpu.vector_load %arg9[%get3A_394, %get3A_395] {strides = array<i32>} : memref<3x2048xf32, #tpu.memory_space<vmem>>, vector<16xf32>,
          %get3A_397 = arith.constant 2 : i32
          %get3A_398 = arith.index_cast %get3A_397 : i32 to index
          %get3A_399 = arith.index_cast %mul3A_105 : i32 to index
          %get3A_400 = tpu.vector_load %arg9[%get3A_398, %get3A_399] {strides = array<i32>} : memref<3x2048xf32, #tpu.memory_space<vmem>>, vector<16xf32>,
          %add3A_401 = arith.addf %get3A_392, %get3A_131 : vector<16xf32>
          %add3A_402 = arith.addf %get3A_396, %get3A_137 : vector<16xf32>
          %add3A_403 = arith.addf %get3A_400, %get3A_143 : vector<16xf32>
          %get3A_404 = arith.constant 0 : index
          %get3A_405 = tpu.vector_load %arg12[%get3A_404] {strides = array<i32>} : memref<144xf32, #tpu.memory_space<vmem>>, vector<16xf32>,
          %get3A_406 = arith.constant 0 : index
          %get3A_407 = tpu.vector_load %arg11[%get3A_406] {strides = array<i32>} : memref<432xf32, #tpu.memory_space<vmem>>, vector<16xf32>,
          %get3A_408 = arith.constant 144 : index
          %get3A_409 = tpu.vector_load %arg11[%get3A_408] {strides = array<i32>} : memref<432xf32, #tpu.memory_space<vmem>>, vector<16xf32>,
          %get3A_410 = arith.constant 288 : index
          %get3A_411 = tpu.vector_load %arg11[%get3A_410] {strides = array<i32>} : memref<432xf32, #tpu.memory_space<vmem>>, vector<16xf32>,
          %masked_sort3A = arith.constant dense<true> : vector<16xi1>
          %masked_sort3A_412, %masked_sort3A_413, %masked_sort3A_414 = tpu.sort %select_n3A, %add3A_401 masked %masked_sort3A : (vector<16xf32>, vector<16xf32>, vector<16xi1>) -> (vector<16xi1>, vector<16xf32>, vector<16xf32>)
          %masked_sort3A_415 = arith.constant dense<true> : vector<16xi1>
          %masked_sort3A_416, %masked_sort3A_417, %masked_sort3A_418 = tpu.sort %select_n3A, %add3A_402 masked %masked_sort3A_415 : (vector<16xf32>, vector<16xf32>, vector<16xi1>) -> (vector<16xi1>, vector<16xf32>, vector<16xf32>)
          %masked_sort3A_419 = arith.constant dense<true> : vector<16xi1>
          %masked_sort3A_420, %masked_sort3A_421, %masked_sort3A_422 = tpu.sort %select_n3A, %add3A_403 masked %masked_sort3A_419 : (vector<16xf32>, vector<16xf32>, vector<16xi1>) -> (vector<16xi1>, vector<16xf32>, vector<16xf32>)
          %rev3A = arith.constant 15 : i32
          %rev3A_423 = vector.broadcast %rev3A : i32 to vector<16xi32>
          %rev3A_424 = tpu.iota {dimensions = array<i32: 0>} : vector<16xi32>
          %rev3A_425 = arith.subi %rev3A_423, %rev3A_424 : vector<16xi32>
          %rev3A_426 = tpu.dynamic_gather %masked_sort3A_413[%rev3A_425] in [0] : vector<16xf32>, vector<16xi32> -> vector<16xf32>
          %le3A = arith.cmpf ole, %get3A_405, %rev3A_426 : vector<16xf32>
          %select_n3A_427 = arith.select %le3A, %get3A_405, %rev3A_426 : vector<16xi1>, vector<16xf32>
          %rev3A_428 = arith.constant 15 : i32
          %rev3A_429 = vector.broadcast %rev3A_428 : i32 to vector<16xi32>
          %rev3A_430 = tpu.iota {dimensions = array<i32: 0>} : vector<16xi32>
          %rev3A_431 = arith.subi %rev3A_429, %rev3A_430 : vector<16xi32>
          %rev3A_432 = tpu.dynamic_gather %masked_sort3A_414[%rev3A_431] in [0] : vector<16xf32>, vector<16xi32> -> vector<16xf32>
          %select_n3A_433 = arith.select %le3A, %get3A_407, %rev3A_432 : vector<16xi1>, vector<16xf32>
          %rev3A_434 = arith.constant 15 : i32
          %rev3A_435 = vector.broadcast %rev3A_434 : i32 to vector<16xi32>
          %rev3A_436 = tpu.iota {dimensions = array<i32: 0>} : vector<16xi32>
          %rev3A_437 = arith.subi %rev3A_435, %rev3A_436 : vector<16xi32>
          %rev3A_438 = tpu.dynamic_gather %masked_sort3A_418[%rev3A_437] in [0] : vector<16xf32>, vector<16xi32> -> vector<16xf32>
          %select_n3A_439 = arith.select %le3A, %get3A_409, %rev3A_438 : vector<16xi1>, vector<16xf32>
          %rev3A_440 = arith.constant 15 : i32
          %rev3A_441 = vector.broadcast %rev3A_440 : i32 to vector<16xi32>
          %rev3A_442 = tpu.iota {dimensions = array<i32: 0>} : vector<16xi32>
          %rev3A_443 = arith.subi %rev3A_441, %rev3A_442 : vector<16xi32>
          %rev3A_444 = tpu.dynamic_gather %masked_sort3A_422[%rev3A_443] in [0] : vector<16xf32>, vector<16xi32> -> vector<16xf32>
          %select_n3A_445 = arith.select %le3A, %get3A_411, %rev3A_444 : vector<16xi1>, vector<16xf32>
          %masked_sort3A_446 = arith.constant dense<true> : vector<16xi1>
          %masked_sort3A_447, %masked_sort3A_448, %masked_sort3A_449 = tpu.sort %select_n3A_427, %select_n3A_433 masked %masked_sort3A_446 : (vector<16xf32>, vector<16xf32>, vector<16xi1>) -> (vector<16xi1>, vector<16xf32>, vector<16xf32>)
          %masked_sort3A_450 = arith.constant dense<true> : vector<16xi1>
          %masked_sort3A_451, %masked_sort3A_452, %masked_sort3A_453 = tpu.sort %select_n3A_427, %select_n3A_439 masked %masked_sort3A_450 : (vector<16xf32>, vector<16xf32>, vector<16xi1>) -> (vector<16xi1>, vector<16xf32>, vector<16xf32>)
          %masked_sort3A_454 = arith.constant dense<true> : vector<16xi1>
          %masked_sort3A_455, %masked_sort3A_456, %masked_sort3A_457 = tpu.sort %select_n3A_427, %select_n3A_445 masked %masked_sort3A_454 : (vector<16xf32>, vector<16xf32>, vector<16xi1>) -> (vector<16xi1>, vector<16xf32>, vector<16xf32>)
          %swap3A_458 = arith.constant 0 : index
          %swap3A_459 = tpu.vector_load %arg12[%swap3A_458] {strides = array<i32>} : memref<144xf32, #tpu.memory_space<vmem>>, vector<16xf32>,
          tpu.vector_store %arg12[%swap3A_458], %masked_sort3A_448 {strides = array<i32>} : memref<144xf32, #tpu.memory_space<vmem>>, vector<16xf32>,
          %swap3A_460 = arith.constant 0 : index
          %swap3A_461 = tpu.vector_load %arg11[%swap3A_460] {strides = array<i32>} : memref<432xf32, #tpu.memory_space<vmem>>, vector<16xf32>,
          tpu.vector_store %arg11[%swap3A_460], %masked_sort3A_449 {strides = array<i32>} : memref<432xf32, #tpu.memory_space<vmem>>, vector<16xf32>,
          %swap3A_462 = arith.constant 144 : index
          %swap3A_463 = tpu.vector_load %arg11[%swap3A_462] {strides = array<i32>} : memref<432xf32, #tpu.memory_space<vmem>>, vector<16xf32>,
          tpu.vector_store %arg11[%swap3A_462], %masked_sort3A_453 {strides = array<i32>} : memref<432xf32, #tpu.memory_space<vmem>>, vector<16xf32>,
          %swap3A_464 = arith.constant 288 : index
          %swap3A_465 = tpu.vector_load %arg11[%swap3A_464] {strides = array<i32>} : memref<432xf32, #tpu.memory_space<vmem>>, vector<16xf32>,
          tpu.vector_store %arg11[%swap3A_464], %masked_sort3A_457 {strides = array<i32>} : memref<432xf32, #tpu.memory_space<vmem>>, vector<16xf32>,
          %add3A_466 = arith.addf %get3A_392, %get3A_156 : vector<16xf32>
          %add3A_467 = arith.addf %get3A_396, %get3A_162 : vector<16xf32>
          %add3A_468 = arith.addf %get3A_400, %get3A_168 : vector<16xf32>
          %get3A_469 = arith.constant 16 : index
          %get3A_470 = tpu.vector_load %arg12[%get3A_469] {strides = array<i32>} : memref<144xf32, #tpu.memory_space<vmem>>, vector<16xf32>,
          %get3A_471 = arith.constant 16 : index
          %get3A_472 = tpu.vector_load %arg11[%get3A_471] {strides = array<i32>} : memref<432xf32, #tpu.memory_space<vmem>>, vector<16xf32>,
          %get3A_473 = arith.constant 160 : index
          %get3A_474 = tpu.vector_load %arg11[%get3A_473] {strides = array<i32>} : memref<432xf32, #tpu.memory_space<vmem>>, vector<16xf32>,
          %get3A_475 = arith.constant 304 : index
          %get3A_476 = tpu.vector_load %arg11[%get3A_475] {strides = array<i32>} : memref<432xf32, #tpu.memory_space<vmem>>, vector<16xf32>,
          %masked_sort3A_477 = arith.constant dense<true> : vector<16xi1>
          %masked_sort3A_478, %masked_sort3A_479, %masked_sort3A_480 = tpu.sort %select_n3A_174, %add3A_466 masked %masked_sort3A_477 : (vector<16xf32>, vector<16xf32>, vector<16xi1>) -> (vector<16xi1>, vector<16xf32>, vector<16xf32>)
          %masked_sort3A_481 = arith.constant dense<true> : vector<16xi1>
          %masked_sort3A_482, %masked_sort3A_483, %masked_sort3A_484 = tpu.sort %select_n3A_174, %add3A_467 masked %masked_sort3A_481 : (vector<16xf32>, vector<16xf32>, vector<16xi1>) -> (vector<16xi1>, vector<16xf32>, vector<16xf32>)
          %masked_sort3A_485 = arith.constant dense<true> : vector<16xi1>
          %masked_sort3A_486, %masked_sort3A_487, %masked_sort3A_488 = tpu.sort %select_n3A_174, %add3A_468 masked %masked_sort3A_485 : (vector<16xf32>, vector<16xf32>, vector<16xi1>) -> (vector<16xi1>, vector<16xf32>, vector<16xf32>)
          %rev3A_489 = arith.constant 15 : i32
          %rev3A_490 = vector.broadcast %rev3A_489 : i32 to vector<16xi32>
          %rev3A_491 = tpu.iota {dimensions = array<i32: 0>} : vector<16xi32>
          %rev3A_492 = arith.subi %rev3A_490, %rev3A_491 : vector<16xi32>
          %rev3A_493 = tpu.dynamic_gather %masked_sort3A_479[%rev3A_492] in [0] : vector<16xf32>, vector<16xi32> -> vector<16xf32>
          %le3A_494 = arith.cmpf ole, %get3A_470, %rev3A_493 : vector<16xf32>
          %select_n3A_495 = arith.select %le3A_494, %get3A_470, %rev3A_493 : vector<16xi1>, vector<16xf32>
          %rev3A_496 = arith.constant 15 : i32
          %rev3A_497 = vector.broadcast %rev3A_496 : i32 to vector<16xi32>
          %rev3A_498 = tpu.iota {dimensions = array<i32: 0>} : vector<16xi32>
          %rev3A_499 = arith.subi %rev3A_497, %rev3A_498 : vector<16xi32>
          %rev3A_500 = tpu.dynamic_gather %masked_sort3A_480[%rev3A_499] in [0] : vector<16xf32>, vector<16xi32> -> vector<16xf32>
          %select_n3A_501 = arith.select %le3A_494, %get3A_472, %rev3A_500 : vector<16xi1>, vector<16xf32>
          %rev3A_502 = arith.constant 15 : i32
          %rev3A_503 = vector.broadcast %rev3A_502 : i32 to vector<16xi32>
          %rev3A_504 = tpu.iota {dimensions = array<i32: 0>} : vector<16xi32>
          %rev3A_505 = arith.subi %rev3A_503, %rev3A_504 : vector<16xi32>
          %rev3A_506 = tpu.dynamic_gather %masked_sort3A_484[%rev3A_505] in [0] : vector<16xf32>, vector<16xi32> -> vector<16xf32>
          %select_n3A_507 = arith.select %le3A_494, %get3A_474, %rev3A_506 : vector<16xi1>, vector<16xf32>
          %rev3A_508 = arith.constant 15 : i32
          %rev3A_509 = vector.broadcast %rev3A_508 : i32 to vector<16xi32>
          %rev3A_510 = tpu.iota {dimensions = array<i32: 0>} : vector<16xi32>
          %rev3A_511 = arith.subi %rev3A_509, %rev3A_510 : vector<16xi32>
          %rev3A_512 = tpu.dynamic_gather %masked_sort3A_488[%rev3A_511] in [0] : vector<16xf32>, vector<16xi32> -> vector<16xf32>
          %select_n3A_513 = arith.select %le3A_494, %get3A_476, %rev3A_512 : vector<16xi1>, vector<16xf32>
          %masked_sort3A_514 = arith.constant dense<true> : vector<16xi1>
          %masked_sort3A_515, %masked_sort3A_516, %masked_sort3A_517 = tpu.sort %select_n3A_495, %select_n3A_501 masked %masked_sort3A_514 : (vector<16xf32>, vector<16xf32>, vector<16xi1>) -> (vector<16xi1>, vector<16xf32>, vector<16xf32>)
          %masked_sort3A_518 = arith.constant dense<true> : vector<16xi1>
          %masked_sort3A_519, %masked_sort3A_520, %masked_sort3A_521 = tpu.sort %select_n3A_495, %select_n3A_507 masked %masked_sort3A_518 : (vector<16xf32>, vector<16xf32>, vector<16xi1>) -> (vector<16xi1>, vector<16xf32>, vector<16xf32>)
          %masked_sort3A_522 = arith.constant dense<true> : vector<16xi1>
          %masked_sort3A_523, %masked_sort3A_524, %masked_sort3A_525 = tpu.sort %select_n3A_495, %select_n3A_513 masked %masked_sort3A_522 : (vector<16xf32>, vector<16xf32>, vector<16xi1>) -> (vector<16xi1>, vector<16xf32>, vector<16xf32>)
          %swap3A_526 = arith.constant 16 : index
          %swap3A_527 = tpu.vector_load %arg12[%swap3A_526] {strides = array<i32>} : memref<144xf32, #tpu.memory_space<vmem>>, vector<16xf32>,
          tpu.vector_store %arg12[%swap3A_526], %masked_sort3A_516 {strides = array<i32>} : memref<144xf32, #tpu.memory_space<vmem>>, vector<16xf32>,
          %swap3A_528 = arith.constant 16 : index
          %swap3A_529 = tpu.vector_load %arg11[%swap3A_528] {strides = array<i32>} : memref<432xf32, #tpu.memory_space<vmem>>, vector<16xf32>,
          tpu.vector_store %arg11[%swap3A_528], %masked_sort3A_517 {strides = array<i32>} : memref<432xf32, #tpu.memory_space<vmem>>, vector<16xf32>,
          %swap3A_530 = arith.constant 160 : index
          %swap3A_531 = tpu.vector_load %arg11[%swap3A_530] {strides = array<i32>} : memref<432xf32, #tpu.memory_space<vmem>>, vector<16xf32>,
          tpu.vector_store %arg11[%swap3A_530], %masked_sort3A_521 {strides = array<i32>} : memref<432xf32, #tpu.memory_space<vmem>>, vector<16xf32>,
          %swap3A_532 = arith.constant 304 : index
          %swap3A_533 = tpu.vector_load %arg11[%swap3A_532] {strides = array<i32>} : memref<432xf32, #tpu.memory_space<vmem>>, vector<16xf32>,
          tpu.vector_store %arg11[%swap3A_532], %masked_sort3A_525 {strides = array<i32>} : memref<432xf32, #tpu.memory_space<vmem>>, vector<16xf32>,
          %add3A_534 = arith.addf %get3A_392, %get3A_184 : vector<16xf32>
          %add3A_535 = arith.addf %get3A_396, %get3A_190 : vector<16xf32>
          %add3A_536 = arith.addf %get3A_400, %get3A_196 : vector<16xf32>
          %get3A_537 = arith.constant 32 : index
          %get3A_538 = tpu.vector_load %arg12[%get3A_537] {strides = array<i32>} : memref<144xf32, #tpu.memory_space<vmem>>, vector<16xf32>,
          %get3A_539 = arith.constant 32 : index
          %get3A_540 = tpu.vector_load %arg11[%get3A_539] {strides = array<i32>} : memref<432xf32, #tpu.memory_space<vmem>>, vector<16xf32>,
          %get3A_541 = arith.constant 176 : index
          %get3A_542 = tpu.vector_load %arg11[%get3A_541] {strides = array<i32>} : memref<432xf32, #tpu.memory_space<vmem>>, vector<16xf32>,
          %get3A_543 = arith.constant 320 : index
          %get3A_544 = tpu.vector_load %arg11[%get3A_543] {strides = array<i32>} : memref<432xf32, #tpu.memory_space<vmem>>, vector<16xf32>,
          %masked_sort3A_545 = arith.constant dense<true> : vector<16xi1>
          %masked_sort3A_546, %masked_sort3A_547, %masked_sort3A_548 = tpu.sort %select_n3A_202, %add3A_534 masked %masked_sort3A_545 : (vector<16xf32>, vector<16xf32>, vector<16xi1>) -> (vector<16xi1>, vector<16xf32>, vector<16xf32>)
          %masked_sort3A_549 = arith.constant dense<true> : vector<16xi1>
          %masked_sort3A_550, %masked_sort3A_551, %masked_sort3A_552 = tpu.sort %select_n3A_202, %add3A_535 masked %masked_sort3A_549 : (vector<16xf32>, vector<16xf32>, vector<16xi1>) -> (vector<16xi1>, vector<16xf32>, vector<16xf32>)
          %masked_sort3A_553 = arith.constant dense<true> : vector<16xi1>
          %masked_sort3A_554, %masked_sort3A_555, %masked_sort3A_556 = tpu.sort %select_n3A_202, %add3A_536 masked %masked_sort3A_553 : (vector<16xf32>, vector<16xf32>, vector<16xi1>) -> (vector<16xi1>, vector<16xf32>, vector<16xf32>)
          %rev3A_557 = arith.constant 15 : i32
          %rev3A_558 = vector.broadcast %rev3A_557 : i32 to vector<16xi32>
          %rev3A_559 = tpu.iota {dimensions = array<i32: 0>} : vector<16xi32>
          %rev3A_560 = arith.subi %rev3A_558, %rev3A_559 : vector<16xi32>
          %rev3A_561 = tpu.dynamic_gather %masked_sort3A_547[%rev3A_560] in [0] : vector<16xf32>, vector<16xi32> -> vector<16xf32>
          %le3A_562 = arith.cmpf ole, %get3A_538, %rev3A_561 : vector<16xf32>
          %select_n3A_563 = arith.select %le3A_562, %get3A_538, %rev3A_561 : vector<16xi1>, vector<16xf32>
          %rev3A_564 = arith.constant 15 : i32
          %rev3A_565 = vector.broadcast %rev3A_564 : i32 to vector<16xi32>
          %rev3A_566 = tpu.iota {dimensions = array<i32: 0>} : vector<16xi32>
          %rev3A_567 = arith.subi %rev3A_565, %rev3A_566 : vector<16xi32>
          %rev3A_568 = tpu.dynamic_gather %masked_sort3A_548[%rev3A_567] in [0] : vector<16xf32>, vector<16xi32> -> vector<16xf32>
          %select_n3A_569 = arith.select %le3A_562, %get3A_540, %rev3A_568 : vector<16xi1>, vector<16xf32>
          %rev3A_570 = arith.constant 15 : i32
          %rev3A_571 = vector.broadcast %rev3A_570 : i32 to vector<16xi32>
          %rev3A_572 = tpu.iota {dimensions = array<i32: 0>} : vector<16xi32>
          %rev3A_573 = arith.subi %rev3A_571, %rev3A_572 : vector<16xi32>
          %rev3A_574 = tpu.dynamic_gather %masked_sort3A_552[%rev3A_573] in [0] : vector<16xf32>, vector<16xi32> -> vector<16xf32>
          %select_n3A_575 = arith.select %le3A_562, %get3A_542, %rev3A_574 : vector<16xi1>, vector<16xf32>
          %rev3A_576 = arith.constant 15 : i32
          %rev3A_577 = vector.broadcast %rev3A_576 : i32 to vector<16xi32>
          %rev3A_578 = tpu.iota {dimensions = array<i32: 0>} : vector<16xi32>
          %rev3A_579 = arith.subi %rev3A_577, %rev3A_578 : vector<16xi32>
          %rev3A_580 = tpu.dynamic_gather %masked_sort3A_556[%rev3A_579] in [0] : vector<16xf32>, vector<16xi32> -> vector<16xf32>
          %select_n3A_581 = arith.select %le3A_562, %get3A_544, %rev3A_580 : vector<16xi1>, vector<16xf32>
          %masked_sort3A_582 = arith.constant dense<true> : vector<16xi1>
          %masked_sort3A_583, %masked_sort3A_584, %masked_sort3A_585 = tpu.sort %select_n3A_563, %select_n3A_569 masked %masked_sort3A_582 : (vector<16xf32>, vector<16xf32>, vector<16xi1>) -> (vector<16xi1>, vector<16xf32>, vector<16xf32>)
          %masked_sort3A_586 = arith.constant dense<true> : vector<16xi1>
          %masked_sort3A_587, %masked_sort3A_588, %masked_sort3A_589 = tpu.sort %select_n3A_563, %select_n3A_575 masked %masked_sort3A_586 : (vector<16xf32>, vector<16xf32>, vector<16xi1>) -> (vector<16xi1>, vector<16xf32>, vector<16xf32>)
          %masked_sort3A_590 = arith.constant dense<true> : vector<16xi1>
          %masked_sort3A_591, %masked_sort3A_592, %masked_sort3A_593 = tpu.sort %select_n3A_563, %select_n3A_581 masked %masked_sort3A_590 : (vector<16xf32>, vector<16xf32>, vector<16xi1>) -> (vector<16xi1>, vector<16xf32>, vector<16xf32>)
          %swap3A_594 = arith.constant 32 : index
          %swap3A_595 = tpu.vector_load %arg12[%swap3A_594] {strides = array<i32>} : memref<144xf32, #tpu.memory_space<vmem>>, vector<16xf32>,
          tpu.vector_store %arg12[%swap3A_594], %masked_sort3A_584 {strides = array<i32>} : memref<144xf32, #tpu.memory_space<vmem>>, vector<16xf32>,
          %swap3A_596 = arith.constant 32 : index
          %swap3A_597 = tpu.vector_load %arg11[%swap3A_596] {strides = array<i32>} : memref<432xf32, #tpu.memory_space<vmem>>, vector<16xf32>,
          tpu.vector_store %arg11[%swap3A_596], %masked_sort3A_585 {strides = array<i32>} : memref<432xf32, #tpu.memory_space<vmem>>, vector<16xf32>,
          %swap3A_598 = arith.constant 176 : index
          %swap3A_599 = tpu.vector_load %arg11[%swap3A_598] {strides = array<i32>} : memref<432xf32, #tpu.memory_space<vmem>>, vector<16xf32>,
          tpu.vector_store %arg11[%swap3A_598], %masked_sort3A_589 {strides = array<i32>} : memref<432xf32, #tpu.memory_space<vmem>>, vector<16xf32>,
          %swap3A_600 = arith.constant 320 : index
          %swap3A_601 = tpu.vector_load %arg11[%swap3A_600] {strides = array<i32>} : memref<432xf32, #tpu.memory_space<vmem>>, vector<16xf32>,
          tpu.vector_store %arg11[%swap3A_600], %masked_sort3A_593 {strides = array<i32>} : memref<432xf32, #tpu.memory_space<vmem>>, vector<16xf32>,
          %add3A_602 = arith.addf %get3A_392, %get3A_213 : vector<16xf32>
          %add3A_603 = arith.addf %get3A_396, %get3A_219 : vector<16xf32>
          %add3A_604 = arith.addf %get3A_400, %get3A_225 : vector<16xf32>
          %get3A_605 = arith.constant 48 : index
          %get3A_606 = tpu.vector_load %arg12[%get3A_605] {strides = array<i32>} : memref<144xf32, #tpu.memory_space<vmem>>, vector<16xf32>,
          %get3A_607 = arith.constant 48 : index
          %get3A_608 = tpu.vector_load %arg11[%get3A_607] {strides = array<i32>} : memref<432xf32, #tpu.memory_space<vmem>>, vector<16xf32>,
          %get3A_609 = arith.constant 192 : index
          %get3A_610 = tpu.vector_load %arg11[%get3A_609] {strides = array<i32>} : memref<432xf32, #tpu.memory_space<vmem>>, vector<16xf32>,
          %get3A_611 = arith.constant 336 : index
          %get3A_612 = tpu.vector_load %arg11[%get3A_611] {strides = array<i32>} : memref<432xf32, #tpu.memory_space<vmem>>, vector<16xf32>,
          %masked_sort3A_613 = arith.constant dense<true> : vector<16xi1>
          %masked_sort3A_614, %masked_sort3A_615, %masked_sort3A_616 = tpu.sort %select_n3A_231, %add3A_602 masked %masked_sort3A_613 : (vector<16xf32>, vector<16xf32>, vector<16xi1>) -> (vector<16xi1>, vector<16xf32>, vector<16xf32>)
          %masked_sort3A_617 = arith.constant dense<true> : vector<16xi1>
          %masked_sort3A_618, %masked_sort3A_619, %masked_sort3A_620 = tpu.sort %select_n3A_231, %add3A_603 masked %masked_sort3A_617 : (vector<16xf32>, vector<16xf32>, vector<16xi1>) -> (vector<16xi1>, vector<16xf32>, vector<16xf32>)
          %masked_sort3A_621 = arith.constant dense<true> : vector<16xi1>
          %masked_sort3A_622, %masked_sort3A_623, %masked_sort3A_624 = tpu.sort %select_n3A_231, %add3A_604 masked %masked_sort3A_621 : (vector<16xf32>, vector<16xf32>, vector<16xi1>) -> (vector<16xi1>, vector<16xf32>, vector<16xf32>)
          %rev3A_625 = arith.constant 15 : i32
          %rev3A_626 = vector.broadcast %rev3A_625 : i32 to vector<16xi32>
          %rev3A_627 = tpu.iota {dimensions = array<i32: 0>} : vector<16xi32>
          %rev3A_628 = arith.subi %rev3A_626, %rev3A_627 : vector<16xi32>
          %rev3A_629 = tpu.dynamic_gather %masked_sort3A_615[%rev3A_628] in [0] : vector<16xf32>, vector<16xi32> -> vector<16xf32>
          %le3A_630 = arith.cmpf ole, %get3A_606, %rev3A_629 : vector<16xf32>
          %select_n3A_631 = arith.select %le3A_630, %get3A_606, %rev3A_629 : vector<16xi1>, vector<16xf32>
          %rev3A_632 = arith.constant 15 : i32
          %rev3A_633 = vector.broadcast %rev3A_632 : i32 to vector<16xi32>
          %rev3A_634 = tpu.iota {dimensions = array<i32: 0>} : vector<16xi32>
          %rev3A_635 = arith.subi %rev3A_633, %rev3A_634 : vector<16xi32>
          %rev3A_636 = tpu.dynamic_gather %masked_sort3A_616[%rev3A_635] in [0] : vector<16xf32>, vector<16xi32> -> vector<16xf32>
          %select_n3A_637 = arith.select %le3A_630, %get3A_608, %rev3A_636 : vector<16xi1>, vector<16xf32>
          %rev3A_638 = arith.constant 15 : i32
          %rev3A_639 = vector.broadcast %rev3A_638 : i32 to vector<16xi32>
          %rev3A_640 = tpu.iota {dimensions = array<i32: 0>} : vector<16xi32>
          %rev3A_641 = arith.subi %rev3A_639, %rev3A_640 : vector<16xi32>
          %rev3A_642 = tpu.dynamic_gather %masked_sort3A_620[%rev3A_641] in [0] : vector<16xf32>, vector<16xi32> -> vector<16xf32>
          %select_n3A_643 = arith.select %le3A_630, %get3A_610, %rev3A_642 : vector<16xi1>, vector<16xf32>
          %rev3A_644 = arith.constant 15 : i32
          %rev3A_645 = vector.broadcast %rev3A_644 : i32 to vector<16xi32>
          %rev3A_646 = tpu.iota {dimensions = array<i32: 0>} : vector<16xi32>
          %rev3A_647 = arith.subi %rev3A_645, %rev3A_646 : vector<16xi32>
          %rev3A_648 = tpu.dynamic_gather %masked_sort3A_624[%rev3A_647] in [0] : vector<16xf32>, vector<16xi32> -> vector<16xf32>
          %select_n3A_649 = arith.select %le3A_630, %get3A_612, %rev3A_648 : vector<16xi1>, vector<16xf32>
          %masked_sort3A_650 = arith.constant dense<true> : vector<16xi1>
          %masked_sort3A_651, %masked_sort3A_652, %masked_sort3A_653 = tpu.sort %select_n3A_631, %select_n3A_637 masked %masked_sort3A_650 : (vector<16xf32>, vector<16xf32>, vector<16xi1>) -> (vector<16xi1>, vector<16xf32>, vector<16xf32>)
          %masked_sort3A_654 = arith.constant dense<true> : vector<16xi1>
          %masked_sort3A_655, %masked_sort3A_656, %masked_sort3A_657 = tpu.sort %select_n3A_631, %select_n3A_643 masked %masked_sort3A_654 : (vector<16xf32>, vector<16xf32>, vector<16xi1>) -> (vector<16xi1>, vector<16xf32>, vector<16xf32>)
          %masked_sort3A_658 = arith.constant dense<true> : vector<16xi1>
          %masked_sort3A_659, %masked_sort3A_660, %masked_sort3A_661 = tpu.sort %select_n3A_631, %select_n3A_649 masked %masked_sort3A_658 : (vector<16xf32>, vector<16xf32>, vector<16xi1>) -> (vector<16xi1>, vector<16xf32>, vector<16xf32>)
          %swap3A_662 = arith.constant 48 : index
          %swap3A_663 = tpu.vector_load %arg12[%swap3A_662] {strides = array<i32>} : memref<144xf32, #tpu.memory_space<vmem>>, vector<16xf32>,
          tpu.vector_store %arg12[%swap3A_662], %masked_sort3A_652 {strides = array<i32>} : memref<144xf32, #tpu.memory_space<vmem>>, vector<16xf32>,
          %swap3A_664 = arith.constant 48 : index
          %swap3A_665 = tpu.vector_load %arg11[%swap3A_664] {strides = array<i32>} : memref<432xf32, #tpu.memory_space<vmem>>, vector<16xf32>,
          tpu.vector_store %arg11[%swap3A_664], %masked_sort3A_653 {strides = array<i32>} : memref<432xf32, #tpu.memory_space<vmem>>, vector<16xf32>,
          %swap3A_666 = arith.constant 192 : index
          %swap3A_667 = tpu.vector_load %arg11[%swap3A_666] {strides = array<i32>} : memref<432xf32, #tpu.memory_space<vmem>>, vector<16xf32>,
          tpu.vector_store %arg11[%swap3A_666], %masked_sort3A_657 {strides = array<i32>} : memref<432xf32, #tpu.memory_space<vmem>>, vector<16xf32>,
          %swap3A_668 = arith.constant 336 : index
          %swap3A_669 = tpu.vector_load %arg11[%swap3A_668] {strides = array<i32>} : memref<432xf32, #tpu.memory_space<vmem>>, vector<16xf32>,
          tpu.vector_store %arg11[%swap3A_668], %masked_sort3A_661 {strides = array<i32>} : memref<432xf32, #tpu.memory_space<vmem>>, vector<16xf32>,
          %add3A_670 = arith.addf %get3A_392, %get3A_242 : vector<16xf32>
          %add3A_671 = arith.addf %get3A_396, %get3A_248 : vector<16xf32>
          %add3A_672 = arith.addf %get3A_400, %get3A_254 : vector<16xf32>
          %get3A_673 = arith.constant 64 : index
          %get3A_674 = tpu.vector_load %arg12[%get3A_673] {strides = array<i32>} : memref<144xf32, #tpu.memory_space<vmem>>, vector<16xf32>,
          %get3A_675 = arith.constant 64 : index
          %get3A_676 = tpu.vector_load %arg11[%get3A_675] {strides = array<i32>} : memref<432xf32, #tpu.memory_space<vmem>>, vector<16xf32>,
          %get3A_677 = arith.constant 208 : index
          %get3A_678 = tpu.vector_load %arg11[%get3A_677] {strides = array<i32>} : memref<432xf32, #tpu.memory_space<vmem>>, vector<16xf32>,
          %get3A_679 = arith.constant 352 : index
          %get3A_680 = tpu.vector_load %arg11[%get3A_679] {strides = array<i32>} : memref<432xf32, #tpu.memory_space<vmem>>, vector<16xf32>,
          %masked_sort3A_681 = arith.constant dense<true> : vector<16xi1>
          %masked_sort3A_682, %masked_sort3A_683, %masked_sort3A_684 = tpu.sort %select_n3A_260, %add3A_670 masked %masked_sort3A_681 : (vector<16xf32>, vector<16xf32>, vector<16xi1>) -> (vector<16xi1>, vector<16xf32>, vector<16xf32>)
          %masked_sort3A_685 = arith.constant dense<true> : vector<16xi1>
          %masked_sort3A_686, %masked_sort3A_687, %masked_sort3A_688 = tpu.sort %select_n3A_260, %add3A_671 masked %masked_sort3A_685 : (vector<16xf32>, vector<16xf32>, vector<16xi1>) -> (vector<16xi1>, vector<16xf32>, vector<16xf32>)
          %masked_sort3A_689 = arith.constant dense<true> : vector<16xi1>
          %masked_sort3A_690, %masked_sort3A_691, %masked_sort3A_692 = tpu.sort %select_n3A_260, %add3A_672 masked %masked_sort3A_689 : (vector<16xf32>, vector<16xf32>, vector<16xi1>) -> (vector<16xi1>, vector<16xf32>, vector<16xf32>)
          %rev3A_693 = arith.constant 15 : i32
          %rev3A_694 = vector.broadcast %rev3A_693 : i32 to vector<16xi32>
          %rev3A_695 = tpu.iota {dimensions = array<i32: 0>} : vector<16xi32>
          %rev3A_696 = arith.subi %rev3A_694, %rev3A_695 : vector<16xi32>
          %rev3A_697 = tpu.dynamic_gather %masked_sort3A_683[%rev3A_696] in [0] : vector<16xf32>, vector<16xi32> -> vector<16xf32>
          %le3A_698 = arith.cmpf ole, %get3A_674, %rev3A_697 : vector<16xf32>
          %select_n3A_699 = arith.select %le3A_698, %get3A_674, %rev3A_697 : vector<16xi1>, vector<16xf32>
          %rev3A_700 = arith.constant 15 : i32
          %rev3A_701 = vector.broadcast %rev3A_700 : i32 to vector<16xi32>
          %rev3A_702 = tpu.iota {dimensions = array<i32: 0>} : vector<16xi32>
          %rev3A_703 = arith.subi %rev3A_701, %rev3A_702 : vector<16xi32>
          %rev3A_704 = tpu.dynamic_gather %masked_sort3A_684[%rev3A_703] in [0] : vector<16xf32>, vector<16xi32> -> vector<16xf32>
          %select_n3A_705 = arith.select %le3A_698, %get3A_676, %rev3A_704 : vector<16xi1>, vector<16xf32>
          %rev3A_706 = arith.constant 15 : i32
          %rev3A_707 = vector.broadcast %rev3A_706 : i32 to vector<16xi32>
          %rev3A_708 = tpu.iota {dimensions = array<i32: 0>} : vector<16xi32>
          %rev3A_709 = arith.subi %rev3A_707, %rev3A_708 : vector<16xi32>
          %rev3A_710 = tpu.dynamic_gather %masked_sort3A_688[%rev3A_709] in [0] : vector<16xf32>, vector<16xi32> -> vector<16xf32>
          %select_n3A_711 = arith.select %le3A_698, %get3A_678, %rev3A_710 : vector<16xi1>, vector<16xf32>
          %rev3A_712 = arith.constant 15 : i32
          %rev3A_713 = vector.broadcast %rev3A_712 : i32 to vector<16xi32>
          %rev3A_714 = tpu.iota {dimensions = array<i32: 0>} : vector<16xi32>
          %rev3A_715 = arith.subi %rev3A_713, %rev3A_714 : vector<16xi32>
          %rev3A_716 = tpu.dynamic_gather %masked_sort3A_692[%rev3A_715] in [0] : vector<16xf32>, vector<16xi32> -> vector<16xf32>
          %select_n3A_717 = arith.select %le3A_698, %get3A_680, %rev3A_716 : vector<16xi1>, vector<16xf32>
          %masked_sort3A_718 = arith.constant dense<true> : vector<16xi1>
          %masked_sort3A_719, %masked_sort3A_720, %masked_sort3A_721 = tpu.sort %select_n3A_699, %select_n3A_705 masked %masked_sort3A_718 : (vector<16xf32>, vector<16xf32>, vector<16xi1>) -> (vector<16xi1>, vector<16xf32>, vector<16xf32>)
          %masked_sort3A_722 = arith.constant dense<true> : vector<16xi1>
          %masked_sort3A_723, %masked_sort3A_724, %masked_sort3A_725 = tpu.sort %select_n3A_699, %select_n3A_711 masked %masked_sort3A_722 : (vector<16xf32>, vector<16xf32>, vector<16xi1>) -> (vector<16xi1>, vector<16xf32>, vector<16xf32>)
          %masked_sort3A_726 = arith.constant dense<true> : vector<16xi1>
          %masked_sort3A_727, %masked_sort3A_728, %masked_sort3A_729 = tpu.sort %select_n3A_699, %select_n3A_717 masked %masked_sort3A_726 : (vector<16xf32>, vector<16xf32>, vector<16xi1>) -> (vector<16xi1>, vector<16xf32>, vector<16xf32>)
          %swap3A_730 = arith.constant 64 : index
          %swap3A_731 = tpu.vector_load %arg12[%swap3A_730] {strides = array<i32>} : memref<144xf32, #tpu.memory_space<vmem>>, vector<16xf32>,
          tpu.vector_store %arg12[%swap3A_730], %masked_sort3A_720 {strides = array<i32>} : memref<144xf32, #tpu.memory_space<vmem>>, vector<16xf32>,
          %swap3A_732 = arith.constant 64 : index
          %swap3A_733 = tpu.vector_load %arg11[%swap3A_732] {strides = array<i32>} : memref<432xf32, #tpu.memory_space<vmem>>, vector<16xf32>,
          tpu.vector_store %arg11[%swap3A_732], %masked_sort3A_721 {strides = array<i32>} : memref<432xf32, #tpu.memory_space<vmem>>, vector<16xf32>,
          %swap3A_734 = arith.constant 208 : index
          %swap3A_735 = tpu.vector_load %arg11[%swap3A_734] {strides = array<i32>} : memref<432xf32, #tpu.memory_space<vmem>>, vector<16xf32>,
          tpu.vector_store %arg11[%swap3A_734], %masked_sort3A_725 {strides = array<i32>} : memref<432xf32, #tpu.memory_space<vmem>>, vector<16xf32>,
          %swap3A_736 = arith.constant 352 : index
          %swap3A_737 = tpu.vector_load %arg11[%swap3A_736] {strides = array<i32>} : memref<432xf32, #tpu.memory_space<vmem>>, vector<16xf32>,
          tpu.vector_store %arg11[%swap3A_736], %masked_sort3A_729 {strides = array<i32>} : memref<432xf32, #tpu.memory_space<vmem>>, vector<16xf32>,
          %add3A_738 = arith.addf %get3A_392, %get3A_271 : vector<16xf32>
          %add3A_739 = arith.addf %get3A_396, %get3A_277 : vector<16xf32>
          %add3A_740 = arith.addf %get3A_400, %get3A_283 : vector<16xf32>
          %get3A_741 = arith.constant 80 : index
          %get3A_742 = tpu.vector_load %arg12[%get3A_741] {strides = array<i32>} : memref<144xf32, #tpu.memory_space<vmem>>, vector<16xf32>,
          %get3A_743 = arith.constant 80 : index
          %get3A_744 = tpu.vector_load %arg11[%get3A_743] {strides = array<i32>} : memref<432xf32, #tpu.memory_space<vmem>>, vector<16xf32>,
          %get3A_745 = arith.constant 224 : index
          %get3A_746 = tpu.vector_load %arg11[%get3A_745] {strides = array<i32>} : memref<432xf32, #tpu.memory_space<vmem>>, vector<16xf32>,
          %get3A_747 = arith.constant 368 : index
          %get3A_748 = tpu.vector_load %arg11[%get3A_747] {strides = array<i32>} : memref<432xf32, #tpu.memory_space<vmem>>, vector<16xf32>,
          %masked_sort3A_749 = arith.constant dense<true> : vector<16xi1>
          %masked_sort3A_750, %masked_sort3A_751, %masked_sort3A_752 = tpu.sort %select_n3A_289, %add3A_738 masked %masked_sort3A_749 : (vector<16xf32>, vector<16xf32>, vector<16xi1>) -> (vector<16xi1>, vector<16xf32>, vector<16xf32>)
          %masked_sort3A_753 = arith.constant dense<true> : vector<16xi1>
          %masked_sort3A_754, %masked_sort3A_755, %masked_sort3A_756 = tpu.sort %select_n3A_289, %add3A_739 masked %masked_sort3A_753 : (vector<16xf32>, vector<16xf32>, vector<16xi1>) -> (vector<16xi1>, vector<16xf32>, vector<16xf32>)
          %masked_sort3A_757 = arith.constant dense<true> : vector<16xi1>
          %masked_sort3A_758, %masked_sort3A_759, %masked_sort3A_760 = tpu.sort %select_n3A_289, %add3A_740 masked %masked_sort3A_757 : (vector<16xf32>, vector<16xf32>, vector<16xi1>) -> (vector<16xi1>, vector<16xf32>, vector<16xf32>)
          %rev3A_761 = arith.constant 15 : i32
          %rev3A_762 = vector.broadcast %rev3A_761 : i32 to vector<16xi32>
          %rev3A_763 = tpu.iota {dimensions = array<i32: 0>} : vector<16xi32>
          %rev3A_764 = arith.subi %rev3A_762, %rev3A_763 : vector<16xi32>
          %rev3A_765 = tpu.dynamic_gather %masked_sort3A_751[%rev3A_764] in [0] : vector<16xf32>, vector<16xi32> -> vector<16xf32>
          %le3A_766 = arith.cmpf ole, %get3A_742, %rev3A_765 : vector<16xf32>
          %select_n3A_767 = arith.select %le3A_766, %get3A_742, %rev3A_765 : vector<16xi1>, vector<16xf32>
          %rev3A_768 = arith.constant 15 : i32
          %rev3A_769 = vector.broadcast %rev3A_768 : i32 to vector<16xi32>
          %rev3A_770 = tpu.iota {dimensions = array<i32: 0>} : vector<16xi32>
          %rev3A_771 = arith.subi %rev3A_769, %rev3A_770 : vector<16xi32>
          %rev3A_772 = tpu.dynamic_gather %masked_sort3A_752[%rev3A_771] in [0] : vector<16xf32>, vector<16xi32> -> vector<16xf32>
          %select_n3A_773 = arith.select %le3A_766, %get3A_744, %rev3A_772 : vector<16xi1>, vector<16xf32>
          %rev3A_774 = arith.constant 15 : i32
          %rev3A_775 = vector.broadcast %rev3A_774 : i32 to vector<16xi32>
          %rev3A_776 = tpu.iota {dimensions = array<i32: 0>} : vector<16xi32>
          %rev3A_777 = arith.subi %rev3A_775, %rev3A_776 : vector<16xi32>
          %rev3A_778 = tpu.dynamic_gather %masked_sort3A_756[%rev3A_777] in [0] : vector<16xf32>, vector<16xi32> -> vector<16xf32>
          %select_n3A_779 = arith.select %le3A_766, %get3A_746, %rev3A_778 : vector<16xi1>, vector<16xf32>
          %rev3A_780 = arith.constant 15 : i32
          %rev3A_781 = vector.broadcast %rev3A_780 : i32 to vector<16xi32>
          %rev3A_782 = tpu.iota {dimensions = array<i32: 0>} : vector<16xi32>
          %rev3A_783 = arith.subi %rev3A_781, %rev3A_782 : vector<16xi32>
          %rev3A_784 = tpu.dynamic_gather %masked_sort3A_760[%rev3A_783] in [0] : vector<16xf32>, vector<16xi32> -> vector<16xf32>
          %select_n3A_785 = arith.select %le3A_766, %get3A_748, %rev3A_784 : vector<16xi1>, vector<16xf32>
          %masked_sort3A_786 = arith.constant dense<true> : vector<16xi1>
          %masked_sort3A_787, %masked_sort3A_788, %masked_sort3A_789 = tpu.sort %select_n3A_767, %select_n3A_773 masked %masked_sort3A_786 : (vector<16xf32>, vector<16xf32>, vector<16xi1>) -> (vector<16xi1>, vector<16xf32>, vector<16xf32>)
          %masked_sort3A_790 = arith.constant dense<true> : vector<16xi1>
          %masked_sort3A_791, %masked_sort3A_792, %masked_sort3A_793 = tpu.sort %select_n3A_767, %select_n3A_779 masked %masked_sort3A_790 : (vector<16xf32>, vector<16xf32>, vector<16xi1>) -> (vector<16xi1>, vector<16xf32>, vector<16xf32>)
          %masked_sort3A_794 = arith.constant dense<true> : vector<16xi1>
          %masked_sort3A_795, %masked_sort3A_796, %masked_sort3A_797 = tpu.sort %select_n3A_767, %select_n3A_785 masked %masked_sort3A_794 : (vector<16xf32>, vector<16xf32>, vector<16xi1>) -> (vector<16xi1>, vector<16xf32>, vector<16xf32>)
          %swap3A_798 = arith.constant 80 : index
          %swap3A_799 = tpu.vector_load %arg12[%swap3A_798] {strides = array<i32>} : memref<144xf32, #tpu.memory_space<vmem>>, vector<16xf32>,
          tpu.vector_store %arg12[%swap3A_798], %masked_sort3A_788 {strides = array<i32>} : memref<144xf32, #tpu.memory_space<vmem>>, vector<16xf32>,
          %swap3A_800 = arith.constant 80 : index
          %swap3A_801 = tpu.vector_load %arg11[%swap3A_800] {strides = array<i32>} : memref<432xf32, #tpu.memory_space<vmem>>, vector<16xf32>,
          tpu.vector_store %arg11[%swap3A_800], %masked_sort3A_789 {strides = array<i32>} : memref<432xf32, #tpu.memory_space<vmem>>, vector<16xf32>,
          %swap3A_802 = arith.constant 224 : index
          %swap3A_803 = tpu.vector_load %arg11[%swap3A_802] {strides = array<i32>} : memref<432xf32, #tpu.memory_space<vmem>>, vector<16xf32>,
          tpu.vector_store %arg11[%swap3A_802], %masked_sort3A_793 {strides = array<i32>} : memref<432xf32, #tpu.memory_space<vmem>>, vector<16xf32>,
          %swap3A_804 = arith.constant 368 : index
          %swap3A_805 = tpu.vector_load %arg11[%swap3A_804] {strides = array<i32>} : memref<432xf32, #tpu.memory_space<vmem>>, vector<16xf32>,
          tpu.vector_store %arg11[%swap3A_804], %masked_sort3A_797 {strides = array<i32>} : memref<432xf32, #tpu.memory_space<vmem>>, vector<16xf32>,
          %add3A_806 = arith.addf %get3A_392, %get3A_300 : vector<16xf32>
          %add3A_807 = arith.addf %get3A_396, %get3A_306 : vector<16xf32>
          %add3A_808 = arith.addf %get3A_400, %get3A_312 : vector<16xf32>
          %get3A_809 = arith.constant 96 : index
          %get3A_810 = tpu.vector_load %arg12[%get3A_809] {strides = array<i32>} : memref<144xf32, #tpu.memory_space<vmem>>, vector<16xf32>,
          %get3A_811 = arith.constant 96 : index
          %get3A_812 = tpu.vector_load %arg11[%get3A_811] {strides = array<i32>} : memref<432xf32, #tpu.memory_space<vmem>>, vector<16xf32>,
          %get3A_813 = arith.constant 240 : index
          %get3A_814 = tpu.vector_load %arg11[%get3A_813] {strides = array<i32>} : memref<432xf32, #tpu.memory_space<vmem>>, vector<16xf32>,
          %get3A_815 = arith.constant 384 : index
          %get3A_816 = tpu.vector_load %arg11[%get3A_815] {strides = array<i32>} : memref<432xf32, #tpu.memory_space<vmem>>, vector<16xf32>,
          %masked_sort3A_817 = arith.constant dense<true> : vector<16xi1>
          %masked_sort3A_818, %masked_sort3A_819, %masked_sort3A_820 = tpu.sort %select_n3A_318, %add3A_806 masked %masked_sort3A_817 : (vector<16xf32>, vector<16xf32>, vector<16xi1>) -> (vector<16xi1>, vector<16xf32>, vector<16xf32>)
          %masked_sort3A_821 = arith.constant dense<true> : vector<16xi1>
          %masked_sort3A_822, %masked_sort3A_823, %masked_sort3A_824 = tpu.sort %select_n3A_318, %add3A_807 masked %masked_sort3A_821 : (vector<16xf32>, vector<16xf32>, vector<16xi1>) -> (vector<16xi1>, vector<16xf32>, vector<16xf32>)
          %masked_sort3A_825 = arith.constant dense<true> : vector<16xi1>
          %masked_sort3A_826, %masked_sort3A_827, %masked_sort3A_828 = tpu.sort %select_n3A_318, %add3A_808 masked %masked_sort3A_825 : (vector<16xf32>, vector<16xf32>, vector<16xi1>) -> (vector<16xi1>, vector<16xf32>, vector<16xf32>)
          %rev3A_829 = arith.constant 15 : i32
          %rev3A_830 = vector.broadcast %rev3A_829 : i32 to vector<16xi32>
          %rev3A_831 = tpu.iota {dimensions = array<i32: 0>} : vector<16xi32>
          %rev3A_832 = arith.subi %rev3A_830, %rev3A_831 : vector<16xi32>
          %rev3A_833 = tpu.dynamic_gather %masked_sort3A_819[%rev3A_832] in [0] : vector<16xf32>, vector<16xi32> -> vector<16xf32>
          %le3A_834 = arith.cmpf ole, %get3A_810, %rev3A_833 : vector<16xf32>
          %select_n3A_835 = arith.select %le3A_834, %get3A_810, %rev3A_833 : vector<16xi1>, vector<16xf32>
          %rev3A_836 = arith.constant 15 : i32
          %rev3A_837 = vector.broadcast %rev3A_836 : i32 to vector<16xi32>
          %rev3A_838 = tpu.iota {dimensions = array<i32: 0>} : vector<16xi32>
          %rev3A_839 = arith.subi %rev3A_837, %rev3A_838 : vector<16xi32>
          %rev3A_840 = tpu.dynamic_gather %masked_sort3A_820[%rev3A_839] in [0] : vector<16xf32>, vector<16xi32> -> vector<16xf32>
          %select_n3A_841 = arith.select %le3A_834, %get3A_812, %rev3A_840 : vector<16xi1>, vector<16xf32>
          %rev3A_842 = arith.constant 15 : i32
          %rev3A_843 = vector.broadcast %rev3A_842 : i32 to vector<16xi32>
          %rev3A_844 = tpu.iota {dimensions = array<i32: 0>} : vector<16xi32>
          %rev3A_845 = arith.subi %rev3A_843, %rev3A_844 : vector<16xi32>
          %rev3A_846 = tpu.dynamic_gather %masked_sort3A_824[%rev3A_845] in [0] : vector<16xf32>, vector<16xi32> -> vector<16xf32>
          %select_n3A_847 = arith.select %le3A_834, %get3A_814, %rev3A_846 : vector<16xi1>, vector<16xf32>
          %rev3A_848 = arith.constant 15 : i32
          %rev3A_849 = vector.broadcast %rev3A_848 : i32 to vector<16xi32>
          %rev3A_850 = tpu.iota {dimensions = array<i32: 0>} : vector<16xi32>
          %rev3A_851 = arith.subi %rev3A_849, %rev3A_850 : vector<16xi32>
          %rev3A_852 = tpu.dynamic_gather %masked_sort3A_828[%rev3A_851] in [0] : vector<16xf32>, vector<16xi32> -> vector<16xf32>
          %select_n3A_853 = arith.select %le3A_834, %get3A_816, %rev3A_852 : vector<16xi1>, vector<16xf32>
          %masked_sort3A_854 = arith.constant dense<true> : vector<16xi1>
          %masked_sort3A_855, %masked_sort3A_856, %masked_sort3A_857 = tpu.sort %select_n3A_835, %select_n3A_841 masked %masked_sort3A_854 : (vector<16xf32>, vector<16xf32>, vector<16xi1>) -> (vector<16xi1>, vector<16xf32>, vector<16xf32>)
          %masked_sort3A_858 = arith.constant dense<true> : vector<16xi1>
          %masked_sort3A_859, %masked_sort3A_860, %masked_sort3A_861 = tpu.sort %select_n3A_835, %select_n3A_847 masked %masked_sort3A_858 : (vector<16xf32>, vector<16xf32>, vector<16xi1>) -> (vector<16xi1>, vector<16xf32>, vector<16xf32>)
          %masked_sort3A_862 = arith.constant dense<true> : vector<16xi1>
          %masked_sort3A_863, %masked_sort3A_864, %masked_sort3A_865 = tpu.sort %select_n3A_835, %select_n3A_853 masked %masked_sort3A_862 : (vector<16xf32>, vector<16xf32>, vector<16xi1>) -> (vector<16xi1>, vector<16xf32>, vector<16xf32>)
          %swap3A_866 = arith.constant 96 : index
          %swap3A_867 = tpu.vector_load %arg12[%swap3A_866] {strides = array<i32>} : memref<144xf32, #tpu.memory_space<vmem>>, vector<16xf32>,
          tpu.vector_store %arg12[%swap3A_866], %masked_sort3A_856 {strides = array<i32>} : memref<144xf32, #tpu.memory_space<vmem>>, vector<16xf32>,
          %swap3A_868 = arith.constant 96 : index
          %swap3A_869 = tpu.vector_load %arg11[%swap3A_868] {strides = array<i32>} : memref<432xf32, #tpu.memory_space<vmem>>, vector<16xf32>,
          tpu.vector_store %arg11[%swap3A_868], %masked_sort3A_857 {strides = array<i32>} : memref<432xf32, #tpu.memory_space<vmem>>, vector<16xf32>,
          %swap3A_870 = arith.constant 240 : index
          %swap3A_871 = tpu.vector_load %arg11[%swap3A_870] {strides = array<i32>} : memref<432xf32, #tpu.memory_space<vmem>>, vector<16xf32>,
          tpu.vector_store %arg11[%swap3A_870], %masked_sort3A_861 {strides = array<i32>} : memref<432xf32, #tpu.memory_space<vmem>>, vector<16xf32>,
          %swap3A_872 = arith.constant 384 : index
          %swap3A_873 = tpu.vector_load %arg11[%swap3A_872] {strides = array<i32>} : memref<432xf32, #tpu.memory_space<vmem>>, vector<16xf32>,
          tpu.vector_store %arg11[%swap3A_872], %masked_sort3A_865 {strides = array<i32>} : memref<432xf32, #tpu.memory_space<vmem>>, vector<16xf32>,
          %add3A_874 = arith.addf %get3A_392, %get3A_329 : vector<16xf32>
          %add3A_875 = arith.addf %get3A_396, %get3A_335 : vector<16xf32>
          %add3A_876 = arith.addf %get3A_400, %get3A_341 : vector<16xf32>
          %get3A_877 = arith.constant 112 : index
          %get3A_878 = tpu.vector_load %arg12[%get3A_877] {strides = array<i32>} : memref<144xf32, #tpu.memory_space<vmem>>, vector<16xf32>,
          %get3A_879 = arith.constant 112 : index
          %get3A_880 = tpu.vector_load %arg11[%get3A_879] {strides = array<i32>} : memref<432xf32, #tpu.memory_space<vmem>>, vector<16xf32>,
          %get3A_881 = arith.constant 256 : index
          %get3A_882 = tpu.vector_load %arg11[%get3A_881] {strides = array<i32>} : memref<432xf32, #tpu.memory_space<vmem>>, vector<16xf32>,
          %get3A_883 = arith.constant 400 : index
          %get3A_884 = tpu.vector_load %arg11[%get3A_883] {strides = array<i32>} : memref<432xf32, #tpu.memory_space<vmem>>, vector<16xf32>,
          %masked_sort3A_885 = arith.constant dense<true> : vector<16xi1>
          %masked_sort3A_886, %masked_sort3A_887, %masked_sort3A_888 = tpu.sort %select_n3A_347, %add3A_874 masked %masked_sort3A_885 : (vector<16xf32>, vector<16xf32>, vector<16xi1>) -> (vector<16xi1>, vector<16xf32>, vector<16xf32>)
          %masked_sort3A_889 = arith.constant dense<true> : vector<16xi1>
          %masked_sort3A_890, %masked_sort3A_891, %masked_sort3A_892 = tpu.sort %select_n3A_347, %add3A_875 masked %masked_sort3A_889 : (vector<16xf32>, vector<16xf32>, vector<16xi1>) -> (vector<16xi1>, vector<16xf32>, vector<16xf32>)
          %masked_sort3A_893 = arith.constant dense<true> : vector<16xi1>
          %masked_sort3A_894, %masked_sort3A_895, %masked_sort3A_896 = tpu.sort %select_n3A_347, %add3A_876 masked %masked_sort3A_893 : (vector<16xf32>, vector<16xf32>, vector<16xi1>) -> (vector<16xi1>, vector<16xf32>, vector<16xf32>)
          %rev3A_897 = arith.constant 15 : i32
          %rev3A_898 = vector.broadcast %rev3A_897 : i32 to vector<16xi32>
          %rev3A_899 = tpu.iota {dimensions = array<i32: 0>} : vector<16xi32>
          %rev3A_900 = arith.subi %rev3A_898, %rev3A_899 : vector<16xi32>
          %rev3A_901 = tpu.dynamic_gather %masked_sort3A_887[%rev3A_900] in [0] : vector<16xf32>, vector<16xi32> -> vector<16xf32>
          %le3A_902 = arith.cmpf ole, %get3A_878, %rev3A_901 : vector<16xf32>
          %select_n3A_903 = arith.select %le3A_902, %get3A_878, %rev3A_901 : vector<16xi1>, vector<16xf32>
          %rev3A_904 = arith.constant 15 : i32
          %rev3A_905 = vector.broadcast %rev3A_904 : i32 to vector<16xi32>
          %rev3A_906 = tpu.iota {dimensions = array<i32: 0>} : vector<16xi32>
          %rev3A_907 = arith.subi %rev3A_905, %rev3A_906 : vector<16xi32>
          %rev3A_908 = tpu.dynamic_gather %masked_sort3A_888[%rev3A_907] in [0] : vector<16xf32>, vector<16xi32> -> vector<16xf32>
          %select_n3A_909 = arith.select %le3A_902, %get3A_880, %rev3A_908 : vector<16xi1>, vector<16xf32>
          %rev3A_910 = arith.constant 15 : i32
          %rev3A_911 = vector.broadcast %rev3A_910 : i32 to vector<16xi32>
          %rev3A_912 = tpu.iota {dimensions = array<i32: 0>} : vector<16xi32>
          %rev3A_913 = arith.subi %rev3A_911, %rev3A_912 : vector<16xi32>
          %rev3A_914 = tpu.dynamic_gather %masked_sort3A_892[%rev3A_913] in [0] : vector<16xf32>, vector<16xi32> -> vector<16xf32>
          %select_n3A_915 = arith.select %le3A_902, %get3A_882, %rev3A_914 : vector<16xi1>, vector<16xf32>
          %rev3A_916 = arith.constant 15 : i32
          %rev3A_917 = vector.broadcast %rev3A_916 : i32 to vector<16xi32>
          %rev3A_918 = tpu.iota {dimensions = array<i32: 0>} : vector<16xi32>
          %rev3A_919 = arith.subi %rev3A_917, %rev3A_918 : vector<16xi32>
          %rev3A_920 = tpu.dynamic_gather %masked_sort3A_896[%rev3A_919] in [0] : vector<16xf32>, vector<16xi32> -> vector<16xf32>
          %select_n3A_921 = arith.select %le3A_902, %get3A_884, %rev3A_920 : vector<16xi1>, vector<16xf32>
          %masked_sort3A_922 = arith.constant dense<true> : vector<16xi1>
          %masked_sort3A_923, %masked_sort3A_924, %masked_sort3A_925 = tpu.sort %select_n3A_903, %select_n3A_909 masked %masked_sort3A_922 : (vector<16xf32>, vector<16xf32>, vector<16xi1>) -> (vector<16xi1>, vector<16xf32>, vector<16xf32>)
          %masked_sort3A_926 = arith.constant dense<true> : vector<16xi1>
          %masked_sort3A_927, %masked_sort3A_928, %masked_sort3A_929 = tpu.sort %select_n3A_903, %select_n3A_915 masked %masked_sort3A_926 : (vector<16xf32>, vector<16xf32>, vector<16xi1>) -> (vector<16xi1>, vector<16xf32>, vector<16xf32>)
          %masked_sort3A_930 = arith.constant dense<true> : vector<16xi1>
          %masked_sort3A_931, %masked_sort3A_932, %masked_sort3A_933 = tpu.sort %select_n3A_903, %select_n3A_921 masked %masked_sort3A_930 : (vector<16xf32>, vector<16xf32>, vector<16xi1>) -> (vector<16xi1>, vector<16xf32>, vector<16xf32>)
          %swap3A_934 = arith.constant 112 : index
          %swap3A_935 = tpu.vector_load %arg12[%swap3A_934] {strides = array<i32>} : memref<144xf32, #tpu.memory_space<vmem>>, vector<16xf32>,
          tpu.vector_store %arg12[%swap3A_934], %masked_sort3A_924 {strides = array<i32>} : memref<144xf32, #tpu.memory_space<vmem>>, vector<16xf32>,
          %swap3A_936 = arith.constant 112 : index
          %swap3A_937 = tpu.vector_load %arg11[%swap3A_936] {strides = array<i32>} : memref<432xf32, #tpu.memory_space<vmem>>, vector<16xf32>,
          tpu.vector_store %arg11[%swap3A_936], %masked_sort3A_925 {strides = array<i32>} : memref<432xf32, #tpu.memory_space<vmem>>, vector<16xf32>,
          %swap3A_938 = arith.constant 256 : index
          %swap3A_939 = tpu.vector_load %arg11[%swap3A_938] {strides = array<i32>} : memref<432xf32, #tpu.memory_space<vmem>>, vector<16xf32>,
          tpu.vector_store %arg11[%swap3A_938], %masked_sort3A_929 {strides = array<i32>} : memref<432xf32, #tpu.memory_space<vmem>>, vector<16xf32>,
          %swap3A_940 = arith.constant 400 : index
          %swap3A_941 = tpu.vector_load %arg11[%swap3A_940] {strides = array<i32>} : memref<432xf32, #tpu.memory_space<vmem>>, vector<16xf32>,
          tpu.vector_store %arg11[%swap3A_940], %masked_sort3A_933 {strides = array<i32>} : memref<432xf32, #tpu.memory_space<vmem>>, vector<16xf32>,
          %add3A_942 = arith.addf %get3A_392, %get3A_356 : vector<16xf32>
          %add3A_943 = arith.addf %get3A_396, %get3A_360 : vector<16xf32>
          %add3A_944 = arith.addf %get3A_400, %get3A_364 : vector<16xf32>
          %get3A_945 = arith.constant 128 : index
          %get3A_946 = tpu.vector_load %arg12[%get3A_945] {strides = array<i32>} : memref<144xf32, #tpu.memory_space<vmem>>, vector<16xf32>,
          %get3A_947 = arith.constant 128 : index
          %get3A_948 = tpu.vector_load %arg11[%get3A_947] {strides = array<i32>} : memref<432xf32, #tpu.memory_space<vmem>>, vector<16xf32>,
          %get3A_949 = arith.constant 272 : index
          %get3A_950 = tpu.vector_load %arg11[%get3A_949] {strides = array<i32>} : memref<432xf32, #tpu.memory_space<vmem>>, vector<16xf32>,
          %get3A_951 = arith.constant 416 : index
          %get3A_952 = tpu.vector_load %arg11[%get3A_951] {strides = array<i32>} : memref<432xf32, #tpu.memory_space<vmem>>, vector<16xf32>,
          %masked_sort3A_953 = arith.constant dense<true> : vector<16xi1>
          %masked_sort3A_954, %masked_sort3A_955, %masked_sort3A_956 = tpu.sort %select_n3A_370, %add3A_942 masked %masked_sort3A_953 : (vector<16xf32>, vector<16xf32>, vector<16xi1>) -> (vector<16xi1>, vector<16xf32>, vector<16xf32>)
          %masked_sort3A_957 = arith.constant dense<true> : vector<16xi1>
          %masked_sort3A_958, %masked_sort3A_959, %masked_sort3A_960 = tpu.sort %select_n3A_370, %add3A_943 masked %masked_sort3A_957 : (vector<16xf32>, vector<16xf32>, vector<16xi1>) -> (vector<16xi1>, vector<16xf32>, vector<16xf32>)
          %masked_sort3A_961 = arith.constant dense<true> : vector<16xi1>
          %masked_sort3A_962, %masked_sort3A_963, %masked_sort3A_964 = tpu.sort %select_n3A_370, %add3A_944 masked %masked_sort3A_961 : (vector<16xf32>, vector<16xf32>, vector<16xi1>) -> (vector<16xi1>, vector<16xf32>, vector<16xf32>)
          %rev3A_965 = arith.constant 15 : i32
          %rev3A_966 = vector.broadcast %rev3A_965 : i32 to vector<16xi32>
          %rev3A_967 = tpu.iota {dimensions = array<i32: 0>} : vector<16xi32>
          %rev3A_968 = arith.subi %rev3A_966, %rev3A_967 : vector<16xi32>
          %rev3A_969 = tpu.dynamic_gather %masked_sort3A_955[%rev3A_968] in [0] : vector<16xf32>, vector<16xi32> -> vector<16xf32>
          %le3A_970 = arith.cmpf ole, %get3A_946, %rev3A_969 : vector<16xf32>
          %select_n3A_971 = arith.select %le3A_970, %get3A_946, %rev3A_969 : vector<16xi1>, vector<16xf32>
          %rev3A_972 = arith.constant 15 : i32
          %rev3A_973 = vector.broadcast %rev3A_972 : i32 to vector<16xi32>
          %rev3A_974 = tpu.iota {dimensions = array<i32: 0>} : vector<16xi32>
          %rev3A_975 = arith.subi %rev3A_973, %rev3A_974 : vector<16xi32>
          %rev3A_976 = tpu.dynamic_gather %masked_sort3A_956[%rev3A_975] in [0] : vector<16xf32>, vector<16xi32> -> vector<16xf32>
          %select_n3A_977 = arith.select %le3A_970, %get3A_948, %rev3A_976 : vector<16xi1>, vector<16xf32>
          %rev3A_978 = arith.constant 15 : i32
          %rev3A_979 = vector.broadcast %rev3A_978 : i32 to vector<16xi32>
          %rev3A_980 = tpu.iota {dimensions = array<i32: 0>} : vector<16xi32>
          %rev3A_981 = arith.subi %rev3A_979, %rev3A_980 : vector<16xi32>
          %rev3A_982 = tpu.dynamic_gather %masked_sort3A_960[%rev3A_981] in [0] : vector<16xf32>, vector<16xi32> -> vector<16xf32>
          %select_n3A_983 = arith.select %le3A_970, %get3A_950, %rev3A_982 : vector<16xi1>, vector<16xf32>
          %rev3A_984 = arith.constant 15 : i32
          %rev3A_985 = vector.broadcast %rev3A_984 : i32 to vector<16xi32>
          %rev3A_986 = tpu.iota {dimensions = array<i32: 0>} : vector<16xi32>
          %rev3A_987 = arith.subi %rev3A_985, %rev3A_986 : vector<16xi32>
          %rev3A_988 = tpu.dynamic_gather %masked_sort3A_964[%rev3A_987] in [0] : vector<16xf32>, vector<16xi32> -> vector<16xf32>
          %select_n3A_989 = arith.select %le3A_970, %get3A_952, %rev3A_988 : vector<16xi1>, vector<16xf32>
          %masked_sort3A_990 = arith.constant dense<true> : vector<16xi1>
          %masked_sort3A_991, %masked_sort3A_992, %masked_sort3A_993 = tpu.sort %select_n3A_971, %select_n3A_977 masked %masked_sort3A_990 : (vector<16xf32>, vector<16xf32>, vector<16xi1>) -> (vector<16xi1>, vector<16xf32>, vector<16xf32>)
          %masked_sort3A_994 = arith.constant dense<true> : vector<16xi1>
          %masked_sort3A_995, %masked_sort3A_996, %masked_sort3A_997 = tpu.sort %select_n3A_971, %select_n3A_983 masked %masked_sort3A_994 : (vector<16xf32>, vector<16xf32>, vector<16xi1>) -> (vector<16xi1>, vector<16xf32>, vector<16xf32>)
          %masked_sort3A_998 = arith.constant dense<true> : vector<16xi1>
          %masked_sort3A_999, %masked_sort3A_1000, %masked_sort3A_1001 = tpu.sort %select_n3A_971, %select_n3A_989 masked %masked_sort3A_998 : (vector<16xf32>, vector<16xf32>, vector<16xi1>) -> (vector<16xi1>, vector<16xf32>, vector<16xf32>)
          %swap3A_1002 = arith.constant 128 : index
          %swap3A_1003 = tpu.vector_load %arg12[%swap3A_1002] {strides = array<i32>} : memref<144xf32, #tpu.memory_space<vmem>>, vector<16xf32>,
          tpu.vector_store %arg12[%swap3A_1002], %masked_sort3A_992 {strides = array<i32>} : memref<144xf32, #tpu.memory_space<vmem>>, vector<16xf32>,
          %swap3A_1004 = arith.constant 128 : index
          %swap3A_1005 = tpu.vector_load %arg11[%swap3A_1004] {strides = array<i32>} : memref<432xf32, #tpu.memory_space<vmem>>, vector<16xf32>,
          tpu.vector_store %arg11[%swap3A_1004], %masked_sort3A_993 {strides = array<i32>} : memref<432xf32, #tpu.memory_space<vmem>>, vector<16xf32>,
          %swap3A_1006 = arith.constant 272 : index
          %swap3A_1007 = tpu.vector_load %arg11[%swap3A_1006] {strides = array<i32>} : memref<432xf32, #tpu.memory_space<vmem>>, vector<16xf32>,
          tpu.vector_store %arg11[%swap3A_1006], %masked_sort3A_997 {strides = array<i32>} : memref<432xf32, #tpu.memory_space<vmem>>, vector<16xf32>,
          %swap3A_1008 = arith.constant 416 : index
          %swap3A_1009 = tpu.vector_load %arg11[%swap3A_1008] {strides = array<i32>} : memref<432xf32, #tpu.memory_space<vmem>>, vector<16xf32>,
          tpu.vector_store %arg11[%swap3A_1008], %masked_sort3A_1001 {strides = array<i32>} : memref<432xf32, #tpu.memory_space<vmem>>, vector<16xf32>,
        } else {
        }
        %scan3A_388 = arith.constant 0 : i32
        scf.yield %scan3A_388 : i32
      }
      %scan3A_101 = arith.constant 128 : i32
      scf.yield %scan3A_100 : i32
    }
    %scan3A_40 = arith.constant 8 : i32
    "tpu.region"() ({
      %run_scoped3A = tpu.sem_alloc : memref<!tpu.dma_semaphore, #tpu.memory_space<semaphore_mem>>
      %dma_start3A = arith.constant 0 : i32
      %dma_start3A_41 = tpu.memref_slice %arg6[%add3A, %dma_start3A] : memref<32x432xf32, #tpu.memory_space<hbm>> -> memref<1x432xf32, #tpu.memory_space<hbm>>
      %dma_start3A_42 = tpu.memref_squeeze %dma_start3A_41 : memref<1x432xf32, #tpu.memory_space<hbm>> -> memref<432xf32, #tpu.memory_space<hbm>>
      %dma_start3A_43 = arith.constant 0 : i32
      %dma_start3A_44 = tpu.memref_slice %arg6[%add3A, %dma_start3A_43] : memref<32x432xf32, #tpu.memory_space<hbm>> -> memref<1x432xf32, #tpu.memory_space<hbm>>
      %dma_start3A_45 = tpu.memref_squeeze %dma_start3A_44 : memref<1x432xf32, #tpu.memory_space<hbm>> -> memref<432xf32, #tpu.memory_space<hbm>>
      tpu.enqueue_dma source(%arg11 : memref<432xf32, #tpu.memory_space<vmem>>) target(%dma_start3A_45 : memref<432xf32, #tpu.memory_space<hbm>>) target_semaphore(%run_scoped3A : memref<!tpu.dma_semaphore, #tpu.memory_space<semaphore_mem>>)
      %dma_wait3A = arith.constant 0 : i32
      %dma_wait3A_46 = tpu.memref_slice %arg6[%add3A, %dma_wait3A] : memref<32x432xf32, #tpu.memory_space<hbm>> -> memref<1x432xf32, #tpu.memory_space<hbm>>
      %dma_wait3A_47 = tpu.memref_squeeze %dma_wait3A_46 : memref<1x432xf32, #tpu.memory_space<hbm>> -> memref<432xf32, #tpu.memory_space<hbm>>
      %dma_wait3A_48 = arith.constant 0 : i32
      %dma_wait3A_49 = tpu.memref_slice %arg6[%add3A, %dma_wait3A_48] : memref<32x432xf32, #tpu.memory_space<hbm>> -> memref<1x432xf32, #tpu.memory_space<hbm>>
      %dma_wait3A_50 = tpu.memref_squeeze %dma_wait3A_49 : memref<1x432xf32, #tpu.memory_space<hbm>> -> memref<432xf32, #tpu.memory_space<hbm>>
      tpu.wait_dma2 semaphore(%run_scoped3A : memref<!tpu.dma_semaphore, #tpu.memory_space<semaphore_mem>>) src(%arg11 : memref<432xf32, #tpu.memory_space<vmem>>) dst(%dma_wait3A_50 : memref<432xf32, #tpu.memory_space<hbm>>)
      tpu.yield
    }) : () -> ()
    return
  }
}

module attributes {stable_mosaic.version = 14 : i64} {
  func.func @_cluster_kernel(%arg0: memref<864x16xf32, #tpu.memory_space<vmem>>, %arg1: memref<288x3xf32, #tpu.memory_space<vmem>>) attributes {dimension_semantics = [], scalar_prefetch = 0 : i64, scratch_operands = 0 : i64, tpu.core_type = #tpu.core_type<tc>} {
    %get3A = arith.constant 0 : index
    %get3A_0 = arith.constant 0 : index
    %get3A_1 = vector.load %arg0[%get3A, %get3A_0] : memref<864x16xf32, #tpu.memory_space<vmem>>, vector<864x16xf32>
    %slice3A = vector.extract_strided_slice %get3A_1 {offsets = [0, 0], sizes = [288, 16], strides = [1, 1]} : vector<864x16xf32> to vector<288x16xf32>
    %slice3A_2 = vector.extract_strided_slice %get3A_1 {offsets = [288, 0], sizes = [288, 16], strides = [1, 1]} : vector<864x16xf32> to vector<288x16xf32>
    %slice3A_3 = vector.extract_strided_slice %get3A_1 {offsets = [576, 0], sizes = [288, 16], strides = [1, 1]} : vector<864x16xf32> to vector<288x16xf32>
    %iota3A = tpu.iota {dimensions = array<i32: 1>} : vector<288x16xi32>
    %lt3A = arith.constant 10 : i32
    %lt3A_4 = vector.broadcast %lt3A : i32 to vector<288x16xi32>
    %lt3A_5 = arith.cmpi slt, %iota3A, %lt3A_4 : vector<288x16xi32>
    %jit3A = arith.constant 0.000000e+00 : f32
    %broadcast_in_dim3A = vector.broadcast %jit3A : f32 to vector<288x16xf32>
    %select_n3A = arith.select %lt3A_5, %slice3A, %broadcast_in_dim3A : vector<288x16xi1>, vector<288x16xf32>
    %reduce_sum3A = arith.constant dense<0.000000e+00> : vector<288xf32>
    %reduce_sum3A_6 = vector.multi_reduction <add>, %select_n3A, %reduce_sum3A [1] : vector<288x16xf32> to vector<288xf32>
    %broadcast_in_dim3A_7 = vector.shape_cast %reduce_sum3A_6 : vector<288xf32> to vector<288x1xf32>
    %mul3A = arith.constant 1.000000e-01 : f32
    %mul3A_8 = vector.broadcast %mul3A : f32 to vector<288x1xf32>
    %mul3A_9 = arith.mulf %broadcast_in_dim3A_7, %mul3A_8 : vector<288x1xf32>
    %sub3A = vector.broadcast %mul3A_9 : vector<288x1xf32> to vector<288x16xf32>
    %sub3A_10 = arith.subf %slice3A, %sub3A : vector<288x16xf32>
    %mul3A_11 = arith.mulf %sub3A_10, %sub3A_10 : vector<288x16xf32>
    %jit3A_12 = arith.constant 0.000000e+00 : f32
    %broadcast_in_dim3A_13 = vector.broadcast %jit3A_12 : f32 to vector<288x16xf32>
    %select_n3A_14 = arith.select %lt3A_5, %mul3A_11, %broadcast_in_dim3A_13 : vector<288x16xi1>, vector<288x16xf32>
    %reduce_sum3A_15 = arith.constant dense<0.000000e+00> : vector<288xf32>
    %reduce_sum3A_16 = vector.multi_reduction <add>, %select_n3A_14, %reduce_sum3A_15 [1] : vector<288x16xf32> to vector<288xf32>
    %broadcast_in_dim3A_17 = vector.shape_cast %reduce_sum3A_16 : vector<288xf32> to vector<288x1xf32>
    %mul3A_18 = arith.constant 1.000000e-01 : f32
    %mul3A_19 = vector.broadcast %mul3A_18 : f32 to vector<288x1xf32>
    %mul3A_20 = arith.mulf %broadcast_in_dim3A_17, %mul3A_19 : vector<288x1xf32>
    %sqrt3A = math.sqrt %mul3A_20 : vector<288x1xf32>
    %jit3A_21 = arith.constant 0.000000e+00 : f32
    %broadcast_in_dim3A_22 = vector.broadcast %jit3A_21 : f32 to vector<288x16xf32>
    %select_n3A_23 = arith.select %lt3A_5, %slice3A_2, %broadcast_in_dim3A_22 : vector<288x16xi1>, vector<288x16xf32>
    %reduce_sum3A_24 = arith.constant dense<0.000000e+00> : vector<288xf32>
    %reduce_sum3A_25 = vector.multi_reduction <add>, %select_n3A_23, %reduce_sum3A_24 [1] : vector<288x16xf32> to vector<288xf32>
    %broadcast_in_dim3A_26 = vector.shape_cast %reduce_sum3A_25 : vector<288xf32> to vector<288x1xf32>
    %mul3A_27 = arith.constant 1.000000e-01 : f32
    %mul3A_28 = vector.broadcast %mul3A_27 : f32 to vector<288x1xf32>
    %mul3A_29 = arith.mulf %broadcast_in_dim3A_26, %mul3A_28 : vector<288x1xf32>
    %sub3A_30 = vector.broadcast %mul3A_29 : vector<288x1xf32> to vector<288x16xf32>
    %sub3A_31 = arith.subf %slice3A_2, %sub3A_30 : vector<288x16xf32>
    %mul3A_32 = arith.mulf %sub3A_31, %sub3A_31 : vector<288x16xf32>
    %jit3A_33 = arith.constant 0.000000e+00 : f32
    %broadcast_in_dim3A_34 = vector.broadcast %jit3A_33 : f32 to vector<288x16xf32>
    %select_n3A_35 = arith.select %lt3A_5, %mul3A_32, %broadcast_in_dim3A_34 : vector<288x16xi1>, vector<288x16xf32>
    %reduce_sum3A_36 = arith.constant dense<0.000000e+00> : vector<288xf32>
    %reduce_sum3A_37 = vector.multi_reduction <add>, %select_n3A_35, %reduce_sum3A_36 [1] : vector<288x16xf32> to vector<288xf32>
    %broadcast_in_dim3A_38 = vector.shape_cast %reduce_sum3A_37 : vector<288xf32> to vector<288x1xf32>
    %mul3A_39 = arith.constant 1.000000e-01 : f32
    %mul3A_40 = vector.broadcast %mul3A_39 : f32 to vector<288x1xf32>
    %mul3A_41 = arith.mulf %broadcast_in_dim3A_38, %mul3A_40 : vector<288x1xf32>
    %sqrt3A_42 = math.sqrt %mul3A_41 : vector<288x1xf32>
    %jit3A_43 = arith.constant 0.000000e+00 : f32
    %broadcast_in_dim3A_44 = vector.broadcast %jit3A_43 : f32 to vector<288x16xf32>
    %select_n3A_45 = arith.select %lt3A_5, %slice3A_3, %broadcast_in_dim3A_44 : vector<288x16xi1>, vector<288x16xf32>
    %reduce_sum3A_46 = arith.constant dense<0.000000e+00> : vector<288xf32>
    %reduce_sum3A_47 = vector.multi_reduction <add>, %select_n3A_45, %reduce_sum3A_46 [1] : vector<288x16xf32> to vector<288xf32>
    %broadcast_in_dim3A_48 = vector.shape_cast %reduce_sum3A_47 : vector<288xf32> to vector<288x1xf32>
    %mul3A_49 = arith.constant 1.000000e-01 : f32
    %mul3A_50 = vector.broadcast %mul3A_49 : f32 to vector<288x1xf32>
    %mul3A_51 = arith.mulf %broadcast_in_dim3A_48, %mul3A_50 : vector<288x1xf32>
    %sub3A_52 = vector.broadcast %mul3A_51 : vector<288x1xf32> to vector<288x16xf32>
    %sub3A_53 = arith.subf %slice3A_3, %sub3A_52 : vector<288x16xf32>
    %mul3A_54 = arith.mulf %sub3A_53, %sub3A_53 : vector<288x16xf32>
    %jit3A_55 = arith.constant 0.000000e+00 : f32
    %broadcast_in_dim3A_56 = vector.broadcast %jit3A_55 : f32 to vector<288x16xf32>
    %select_n3A_57 = arith.select %lt3A_5, %mul3A_54, %broadcast_in_dim3A_56 : vector<288x16xi1>, vector<288x16xf32>
    %reduce_sum3A_58 = arith.constant dense<0.000000e+00> : vector<288xf32>
    %reduce_sum3A_59 = vector.multi_reduction <add>, %select_n3A_57, %reduce_sum3A_58 [1] : vector<288x16xf32> to vector<288xf32>
    %broadcast_in_dim3A_60 = vector.shape_cast %reduce_sum3A_59 : vector<288xf32> to vector<288x1xf32>
    %mul3A_61 = arith.constant 1.000000e-01 : f32
    %mul3A_62 = vector.broadcast %mul3A_61 : f32 to vector<288x1xf32>
    %mul3A_63 = arith.mulf %broadcast_in_dim3A_60, %mul3A_62 : vector<288x1xf32>
    %sqrt3A_64 = math.sqrt %mul3A_63 : vector<288x1xf32>
    %abs3A = math.absf %sub3A_10 : vector<288x16xf32>
    %add3A = arith.constant 9.99999971E-10 : f32
    %add3A_65 = vector.broadcast %add3A : f32 to vector<288x1xf32>
    %add3A_66 = arith.addf %sqrt3A, %add3A_65 : vector<288x1xf32>
    %le3A = vector.broadcast %add3A_66 : vector<288x1xf32> to vector<288x16xf32>
    %le3A_67 = arith.cmpf ole, %abs3A, %le3A : vector<288x16xf32>
    %and3A = arith.andi %lt3A_5, %le3A_67 : vector<288x16xi1>
    %abs3A_68 = math.absf %sub3A_31 : vector<288x16xf32>
    %add3A_69 = arith.constant 9.99999971E-10 : f32
    %add3A_70 = vector.broadcast %add3A_69 : f32 to vector<288x1xf32>
    %add3A_71 = arith.addf %sqrt3A_42, %add3A_70 : vector<288x1xf32>
    %le3A_72 = vector.broadcast %add3A_71 : vector<288x1xf32> to vector<288x16xf32>
    %le3A_73 = arith.cmpf ole, %abs3A_68, %le3A_72 : vector<288x16xf32>
    %and3A_74 = arith.andi %and3A, %le3A_73 : vector<288x16xi1>
    %abs3A_75 = math.absf %sub3A_53 : vector<288x16xf32>
    %add3A_76 = arith.constant 9.99999971E-10 : f32
    %add3A_77 = vector.broadcast %add3A_76 : f32 to vector<288x1xf32>
    %add3A_78 = arith.addf %sqrt3A_64, %add3A_77 : vector<288x1xf32>
    %le3A_79 = vector.broadcast %add3A_78 : vector<288x1xf32> to vector<288x16xf32>
    %le3A_80 = arith.cmpf ole, %abs3A_75, %le3A_79 : vector<288x16xf32>
    %and3A_81 = arith.andi %and3A_74, %le3A_80 : vector<288x16xi1>
    %convert_element_type3A = arith.extui %and3A_81 : vector<288x16xi1> to vector<288x16xi32>
    %convert_element_type3A_82 = arith.sitofp %convert_element_type3A : vector<288x16xi32> to vector<288x16xf32>
    %reduce_sum3A_83 = arith.constant dense<0.000000e+00> : vector<288xf32>
    %reduce_sum3A_84 = vector.multi_reduction <add>, %convert_element_type3A_82, %reduce_sum3A_83 [1] : vector<288x16xf32> to vector<288xf32>
    %broadcast_in_dim3A_85 = vector.shape_cast %reduce_sum3A_84 : vector<288xf32> to vector<288x1xf32>
    %add3A_86 = arith.constant 9.99999993E-9 : f32
    %add3A_87 = vector.broadcast %add3A_86 : f32 to vector<288x1xf32>
    %add3A_88 = arith.addf %broadcast_in_dim3A_85, %add3A_87 : vector<288x1xf32>
    %jit3A_89 = arith.constant 0.000000e+00 : f32
    %broadcast_in_dim3A_90 = vector.broadcast %jit3A_89 : f32 to vector<288x16xf32>
    %select_n3A_91 = arith.select %lt3A_5, %slice3A, %broadcast_in_dim3A_90 : vector<288x16xi1>, vector<288x16xf32>
    %mul3A_92 = arith.mulf %select_n3A_91, %convert_element_type3A_82 : vector<288x16xf32>
    %reduce_sum3A_93 = arith.constant dense<0.000000e+00> : vector<288xf32>
    %reduce_sum3A_94 = vector.multi_reduction <add>, %mul3A_92, %reduce_sum3A_93 [1] : vector<288x16xf32> to vector<288xf32>
    %broadcast_in_dim3A_95 = vector.shape_cast %reduce_sum3A_94 : vector<288xf32> to vector<288x1xf32>
    %div3A = arith.divf %broadcast_in_dim3A_95, %add3A_88 : vector<288x1xf32>
    %jit3A_96 = arith.constant 0.000000e+00 : f32
    %broadcast_in_dim3A_97 = vector.broadcast %jit3A_96 : f32 to vector<288x16xf32>
    %select_n3A_98 = arith.select %lt3A_5, %slice3A_2, %broadcast_in_dim3A_97 : vector<288x16xi1>, vector<288x16xf32>
    %mul3A_99 = arith.mulf %select_n3A_98, %convert_element_type3A_82 : vector<288x16xf32>
    %reduce_sum3A_100 = arith.constant dense<0.000000e+00> : vector<288xf32>
    %reduce_sum3A_101 = vector.multi_reduction <add>, %mul3A_99, %reduce_sum3A_100 [1] : vector<288x16xf32> to vector<288xf32>
    %broadcast_in_dim3A_102 = vector.shape_cast %reduce_sum3A_101 : vector<288xf32> to vector<288x1xf32>
    %div3A_103 = arith.divf %broadcast_in_dim3A_102, %add3A_88 : vector<288x1xf32>
    %jit3A_104 = arith.constant 0.000000e+00 : f32
    %broadcast_in_dim3A_105 = vector.broadcast %jit3A_104 : f32 to vector<288x16xf32>
    %select_n3A_106 = arith.select %lt3A_5, %slice3A_3, %broadcast_in_dim3A_105 : vector<288x16xi1>, vector<288x16xf32>
    %mul3A_107 = arith.mulf %select_n3A_106, %convert_element_type3A_82 : vector<288x16xf32>
    %reduce_sum3A_108 = arith.constant dense<0.000000e+00> : vector<288xf32>
    %reduce_sum3A_109 = vector.multi_reduction <add>, %mul3A_107, %reduce_sum3A_108 [1] : vector<288x16xf32> to vector<288xf32>
    %broadcast_in_dim3A_110 = vector.shape_cast %reduce_sum3A_109 : vector<288xf32> to vector<288x1xf32>
    %div3A_111 = arith.divf %broadcast_in_dim3A_110, %add3A_88 : vector<288x1xf32>
    %concatenate3A = tpu.concatenate %div3A, %div3A_103, %div3A_111 in 1 : vector<288x1xf32>, vector<288x1xf32>, vector<288x1xf32> -> vector<288x3xf32>
    %swap3A = arith.constant 0 : index
    %swap3A_112 = arith.constant 0 : index
    %swap3A_113 = vector.load %arg1[%swap3A, %swap3A_112] : memref<288x3xf32, #tpu.memory_space<vmem>>, vector<288x3xf32>
    tpu.vector_store %arg1[%swap3A, %swap3A_112], %concatenate3A {strides = array<i32>} : memref<288x3xf32, #tpu.memory_space<vmem>>, vector<288x3xf32>,
    return
  }
}

</mosaic_0001>

<sc_bundles>
// kernel: kernel.4.cloned.1.call-start
scs
__scs_entry_jumppad:
0x0: {  	(pc) =	sbr.rel $0x88, $3  }
0x1: {  	(tag) =	ssettag $0x0;
	lr =	simm.s32 $0x1  }
0x2: {  	[smem:$0x3F9D] =	sst lr;
	_ =	strace $0xD0000000  }
0x3: {  	_ = 	snop  }
0x4: {  	_ = 	snop  }
0x5: {  	_ = 	snop  }
0x6: {  	_ = 	snop  }
0x7: {  	_ = 	snop  }
__scs_overlays_trampoline_lowered:
0x8: {  	[smem:$0x3FAC] =	sst s0  }
0x9: {  	[smem:$0x3FAD] =	sst s1  }
0xa: {  	[smem:$0x3FAE] =	sst s2  }
0xb: {  	[smem:$0x3FAF] =	sst s3  }
0xc: {  	[smem:$0x3FB0] =	sst s4  }
0xd: {  	[smem:$0x3FB1] =	sst s5  }
0xe: {  	[smem:$0x3FB2] =	sst s6  }
0xf: {  	[smem:$0x3FB3] =	sst s7  }
0x10: {  	[smem:$0x3FB4] =	sst s8  }
0x11: {  	[smem:$0x3FB5] =	sst s9;
	s0 =	simm.s32 @!p0 $0x0  }
0x12: {  	s1 =	sld [smem:$0x3F9B];
	s0 =	simm.s32 @p0 $0x1  }
0x13: {  	[smem:$0x3FB6] =	sst s0;
	s0 =	simm.s32 @!p1 $0x0  }
0x14: {  	s2 =	sld [smem:$0x3F9A];
	s0 =	simm.s32 @p1 $0x1  }
0x15: {  	[smem:$0x3FB7] =	sst s0;
	s0 =	simm.s32 @!p2 $0x0  }
0x16: {  	s3 =	sld [smem:$0x3FDB];
	s0 =	simm.s32 @p2 $0x1  }
0x17: {  	s4 =	simm.s32 $0x1BF5;
	[smem:$0x3FB9] =	sst s0  }
0x18: {  	s0 =	sld [smem:$0x3F9C];
	_ =	swait.ge [sflag:s4], $0x0  }
0x19: {  	s7 =	sld [smem:$0x3F9D]  }
0x1a: {  	s8 =	sadd.s32 $0xFFFFE003, lr  }
0x1b: {  	s9 =	sadd.s32 $0xFFFFFEF7, lr;
	s5 =	simm.s32 $0xFFFFFFFF;
	p2 =	slt.u32 s8, $0xFFFFF086  }
0x1c: {  	p1 =	slt.u32 s9, $0xF7A;
	s5 =	simm.s32 @!p2 $0x0  }
0x1d: {  	s5 =	simm.s32 @p1 $0x1;
	p0 =	seq.s32 s7, s2  }
0x1e: {  	s7 =	smul.u32 @!p0 $0xF7A, s2;
	p2 =	seq.s32 @!p0 s5, $0x0  }
0x1f: {  	s9 =	smul.u32 $0xF7A, s1;
	s8 =	simm.s32 @!p0 $0x1BF5;
	p2 =	por !p2, p0  }
0x20: {  	[sflag:s8] =	ssyncset.s32 @!p0 $0xFFFFF086;
	s6 =	sadd.s32 @!p0 s3, s7;
	s7 =	simm.s32 @!p0 $0x108  }
0x21: {  	s3 =	sadd.s32 s3, s9;
	s6 =	sadd.s32 @!p0 $0x88, s6;
	s7 =	simm.s32 @p2 $0x1082  }
0x22: {  	[simem:s7], [sflag:s8] =	dma.local @!p0 [hbm:s6], $0xF7A  }
0x23: {  	s9 =	sor.u32 $0xD0000000, s2;
	s6 =	simm.s32 $0x108;
	_ =	swait.ge @!p0 [sflag:s8], $0x0  }
0x24: {  	s3 =	sadd.s32 $0x88, s3;
	s6 =	simm.s32 @!p1 $0x1082;
	[sflag:s4] =	ssyncset.s32 $0xFFFFF086  }
0x25: {  	[simem:s6], [sflag:s4] =	dma.local [hbm:s3], $0xF7A  }
0x26: {  	[smem:$0x3F9D] =	sst s1;
	(tag) =	ssettag s2;
	_ =	strace s9  }
0x27: {  	s1 =	sld [smem:$0x3FAD]  }
0x28: {  	s2 =	sld [smem:$0x3FAE]  }
0x29: {  	s4 =	sld [smem:$0x3FB0]  }
0x2a: {  	p0 =	seq.s32 s5, $0x0;
	s5 =	sld [smem:$0x3FB1]  }
0x2b: {  	s6 =	sld [smem:$0x3FB2]  }
0x2c: {  	s7 =	sld [smem:$0x3FB3]  }
0x2d: {  	s3 =	simm.s32 $0x108;
	s8 =	sld [smem:$0x3FB4]  }
0x2e: {  	s3 =	simm.s32 @!p0 $0x1082;
	s9 =	sld [smem:$0x3FB5]  }
0x2f: {  	lr =	sadd.s32 s0, s3;
	s0 =	sld [smem:$0x3FAC]  }
0x30: {  	s3 =	sld [smem:$0x3FAF]  }
0x31: {  	[smem:$0x3FB8] =	sst s10  }
0x32: {  	s10 =	sld [smem:$0x3FB6];
	_ =	sdelay $0x3  }
0x33: {  	p0 =	seq.s32 s10, $0x1;
	s10 =	sld [smem:$0x3FB8];
	_ =	sdelay $0x3  }
0x34: {  	[smem:$0x3FB8] =	sst s10  }
0x35: {  	s10 =	sld [smem:$0x3FB7];
	_ =	sdelay $0x3  }
0x36: {  	p1 =	seq.s32 s10, $0x1;
	s10 =	sld [smem:$0x3FB8];
	_ =	sdelay $0x3  }
0x37: {  	[smem:$0x3FB8] =	sst s10  }
0x38: {  	s10 =	sld [smem:$0x3FB9]  }
0x39: {  	_ = 	snop;
	(pc) =	sbr.ind lr, $3  }
0x3a: {  	_ = 	snop  }
0x3b: {  	_ = 	snop  }
0x3c: {  	p2 =	seq.s32 s10, $0x1;
	s10 =	sld [smem:$0x3FB8]  }
0x3d: {  	_ =	shalt  }
0x3e: {  	_ =	shalt  }
0x3f: {  	_ =	shalt  }
0x40: {  	_ =	shalt  }
0x41: {  	_ =	shalt  }
0x42: {  	_ =	shalt  }
0x43: {  	_ =	shalt  }
0x44: {  	_ =	shalt  }
0x45: {  	_ =	shalt  }
0x46: {  	_ =	shalt  }
0x47: {  	_ =	shalt  }
0x48: {  	_ =	shalt  }
0x49: {  	_ =	shalt  }
0x4a: {  	_ =	shalt  }
0x4b: {  	_ =	shalt  }
0x4c: {  	_ =	shalt  }
0x4d: {  	_ =	shalt  }
0x4e: {  	_ =	shalt  }
0x4f: {  	_ =	shalt  }
0x50: {  	_ =	shalt  }
0x51: {  	_ =	shalt  }
0x52: {  	_ =	shalt  }
0x53: {  	_ =	shalt  }
0x54: {  	_ =	shalt  }
0x55: {  	_ =	shalt  }
0x56: {  	_ =	shalt  }
0x57: {  	_ =	shalt  }
0x58: {  	_ =	shalt  }
0x59: {  	_ =	shalt  }
0x5a: {  	_ =	shalt  }
0x5b: {  	_ =	shalt  }
0x5c: {  	_ =	shalt  }
0x5d: {  	_ =	shalt  }
0x5e: {  	_ =	shalt  }
0x5f: {  	_ =	shalt  }
0x60: {  	_ =	shalt  }
0x61: {  	_ =	shalt  }
0x62: {  	_ =	shalt  }
0x63: {  	_ =	shalt  }
0x64: {  	_ =	shalt  }
0x65: {  	_ =	shalt  }
0x66: {  	_ =	shalt  }
0x67: {  	_ =	shalt  }
0x68: {  	_ =	shalt  }
0x69: {  	_ =	shalt  }
0x6a: {  	_ =	shalt  }
0x6b: {  	_ =	shalt  }
0x6c: {  	_ =	shalt  }
0x6d: {  	_ =	shalt  }
0x6e: {  	_ =	shalt  }
0x6f: {  	_ =	shalt  }
0x70: {  	_ =	shalt  }
0x71: {  	_ =	shalt  }
0x72: {  	_ =	shalt  }
0x73: {  	_ =	shalt  }
0x74: {  	_ =	shalt  }
0x75: {  	_ =	shalt  }
0x76: {  	_ =	shalt  }
0x77: {  	_ =	shalt  }
0x78: {  	_ =	shalt  }
0x79: {  	_ =	shalt  }
0x7a: {  	_ =	shalt  }
0x7b: {  	_ =	shalt  }
0x7c: {  	_ =	shalt  }
0x7d: {  	_ =	shalt  }
0x7e: {  	_ =	shalt  }
0x7f: {  	_ =	shalt  }
0x80: {  	_ =	shalt  }
0x81: {  	_ =	shalt  }
0x82: {  	_ =	shalt  }
0x83: {  	_ =	shalt  }
0x84: {  	_ =	shalt  }
0x85: {  	_ =	shalt  }
0x86: {  	_ =	shalt  }
0x87: {  	_ =	shalt  }
.Lfunc_end0:
.L_simem_size_0:
called_computation_lowered:
.L_overlay_start_0:
0x88: {  	s2 =	sld [smem:$0x3FD9]  }
0x89: {  	s3 =	sld [smem:$0x3FFE];
	_ =	sdelay $0x1  }
0x8a: {  	s1 =	srdreg.scid  }
0x8b: {  	s0 =	sand.u32 $0x1, s1  }
0x8c: {  	s17 =	sshll.u32 s0, $0xA;
	s2 =	sadd.s32 s3, s2  }
0x8d: {  	s2 =	sadd.s32 s2, s17  }
0x8e: {  	[smem:$0x3FC4] =	sst s2  }
0x8f: {  	_ = 	snop  }
0x90: {  	s2 =	sld [smem:$0x3FC9]  }
0x91: {  	s18 =	sld [smem:$0x3FC8]  }
0x92: {  	s4 =	sld [smem:$0x3FC6];
	(tm) =	ssettm $0x1  }
0x93: {  	s5 =	sld [smem:$0x3FFB];
	_ =	sdelay $0x3  }
0x94: {  	_ =	strace s5  }
0x95: {  	s5 =	sld [smem:$0x3FFC];
	_ =	sdelay $0x3  }
0x96: {  	_ =	strace s5  }
0x97: {  	s5 =	sld [smem:$0x3FFD];
	_ =	sdelay $0x3  }
0x98: {  	_ =	strace s5  }
0x99: {  	_ =	strace $0x8FFFFFFF  }
0x9a: {  	s19 =	sld [smem:$0x3FDB];
	_ =	sdelay $0x1  }
0x9b: {  	s6 =	simm.s32 $_scs_section_size  }
0x9c: {  	s7 =	simm.s32 $_size__tile_overlayer_lowered;
	s8 =	simm.s32 $_tile_overlayer_lowered  }
0x9d: {  	s22 =	simm.s32 $0x1BFF;
	s21 =	sshll.u32 s8, $0x1;
	s5 =	sadd.s32 s6, s19  }
0x9e: {  	s9 =	simm.s32 $0x0;
	s20 =	sshll.u32 s7, $0x1;
	s7 =	sadd.s32 s21, s5  }
0x9f: {  	[timem:s9], [sflag:s22] =	dma.local [hbm:s7], s20  }
0xa0: {  	_ =	swait.ge [sflag:s22], s20  }
0xa1: {  	s6 =	ssub.s32 $0x0, s20;
	[sflag:s22] =	ssyncset.done $0x0  }
0xa2: {  	[sflag:s22] =	ssyncadd.s32 s6;
	_ =	sdelay $0x1  }
0xa3: {  	s23 =	simm.s32 $0x1B8B  }
0xa4: {  	_ =	swait.ge [sflag:s23], $0x1  }
0xa5: {  	[sflag:s23] =	ssyncset.done $0x0  }
0xa6: {  	s25 =	simm.s32 $0x1B8E;
	s24 =	sld [smem:$0x3FFE];
	[sflag:s23] =	ssyncadd.s32 $0xFFFFFFFF  }
0xa7: {  	s26 =	simm.s32 $execute0_lowered;
	[smem:$0x3FD2] =	sst s25  }
0xa8: {  	s7 =	sshll.u32 s26, $0x1;
	_ =	strace $0x80000046;
	[dreg:$0x1] =	wrdreg $0xFFFFFFFF  }
0xa9: {  	s28 =	simm.s32 $_size_execute0_lowered;
	s5 =	sadd.s32 s5, s7;
	[dreg:$0x0] =	wrdreg $0x0  }
0xaa: {  	s7 =	sshll.u32 s28, $0x1;
	[dreg:$0x2] =	wrdreg s5  }
0xab: {  	[dreg:$0x3] =	wrdreg s7  }
0xac: {  	[dreg:$0x4] =	wrdreg $0xC0  }
0xad: {  	_ =	task [dreg:s9], $0x5FFFF  }
0xae: {  	[dreg:$0x1] =	wrdreg $0xFFFFFFFF  }
0xaf: {  	[dreg:$0x0] =	wrdreg $0x60  }
0xb0: {  	[dreg:$0x2] =	wrdreg s18  }
0xb1: {  	[dreg:$0x3] =	wrdreg s24  }
0xb2: {  	[dreg:$0x4] =	wrdreg s2  }
0xb3: {  	[dreg:$0x5] =	wrdreg s4  }
0xb4: {  	[dreg:$0x6] =	wrdreg $0x9  }
0xb5: {  	_ =	task.clear_ibuf [dreg:s9], $0x7FFFF;
	_ =	strace $0x90000046  }
0xb6: {  	s29 =	simm.s32 $0x9;
	_ =	strace $0x80000048  }
0xb7: {  	_ =	swait.ge [sflag:s29], $0x1  }
0xb8: {  	[sflag:s29] =	ssyncadd.s32 $0xFFFFFFFF  }
0xb9: {  	_ =	strace $0x90000048  }
0xba: {  	_ =	sfence  }
0xbb: {  	s30 =	sld [smem:$0x0];
	_ =	sdelay $0x2  }
0xbc: {  	s31 =	sshll.u32 s1, $0xD;
	s1 =	sshrl.u32 s1, $0x2  }
0xbd: {  	s3 =	sand.u32 $0x4000, s31;
	s1 =	sadd.s32 s1, s30  }
0xbe: {  	s0 =	sor.u32 s3, s0;
	s1 =	sshll.u32 s1, $0x11  }
0xbf: {  	s0 =	sor.u32 s1, s0  }
0xc0: {  	s0 =	sadd.s32 $0x8F2B, s0  }
0xc1: {  	[sflag:s0] =	ssyncadd.remote.s32 $0x1  }
0xc2: {  	_ =	sfence.sel $0xFFFF  }
0xc3: {  	[dreg:$0x0] =	wrdreg $0xFFFFFFFF;
	(pc) =	sbr.abs _section_cstart, $3  }
0xc4: {  	[dreg:$0x1] =	wrdreg $0xFFFFFFFF  }
0xc5: {  	_ =	task.clear_ibuf [dreg:s9], $0x2FFFF;
	_ =	strace $0x9FFFFFFF  }
0xc6: {  	(tm) =	ssettm $0x7FFFFFFF  }
0xc7: {  	_ =	shalt  }
tec
execute0_lowered:
.L_overlay_start_1:
0x0: {  	(tag) =	ssettag $0x1  }
0x1: {  	s0 =	rddreg [dreg:$0x1]  }
0x2: {  	s1 =	rddreg [dreg:$0x3];
	s11 =	simm.s32 $0x0;
	s2 =	srdreg.scid  }
0x3: {  	s8 =	stileid.u32;
	s14 =	simm.s32 $0x80;
	s15 =	simm.s32 $0x80000  }
0x4: {  	s19 =	simm.s32 $0xE600;
	s20 =	simm.s32 $0xE800;
	s21 =	simm.s32 $0xEA00  }
0x5: {  	s22 =	simm.s32 $0xEC00;
	s23 =	simm.s32 $0xEE00;
	s28 =	simm.s32 $0xF600  }
0x6: {  	s29 =	simm.s32 $0xF800;
	s30 =	simm.s32 $0xFA00;
	s31 =	simm.s32 $0xFC00  }
0x7: {  	s10 =	simm.s32 $0x11200;
	[smem:$0x7FF] =	sst s11;
	s2 =	sand.u32 $0x1, s2  }
0x8: {  	s3 =	sshll.u32 s8, $0x1;
	s5 =	sshll.u32 s8, $0x7;
	s8 =	sshll.u32 s8, $0xF  }
0x9: {  	_ =	strace $0x80000047;
	s3 =	sor.u32 s2, s3;
	s2 =	ssub.s32 $0x2, s2  }
0xa: {  	s5 =	sand.u32 $0x600, s5;
	s4 =	sshll.u32 s3, $0xD;
	s6 =	sshrl.u32 s2, $0x1  }
0xb: {  	s7 =	sshll.u32 s3, $0x7;
	s9 =	sshll.u32 s3, $0x4;
	s4 =	sadd.s32 s4, s0  }
0xc: {  	s0 =	sadd.s32 s5, s0;
	s2 =	ssub.s32 s2, s6;
	s5 =	smul.u32 $0x60000, s3  }
0xd: {  	s24 =	sor.u32 s8, s7;
	s25 =	sand.u32 $0x70, s9;
	s3 =	sshll.u32 s3, $0xC  }
.Ltmp0:
0xe: {  	v0 =	vimm.f32 $1.000000020e+30;
	v1 =	vlaneseq.u32;
	s9 =	simm.s32 $0x1;
	s6 =	sadd.s32 $0x400, s4;
	(pc) =	sbr.rel .LBB2_1-.Ltmp0, $4  }
0xf: {  	v2 =	vimm.s32 $0x9;
	v3 =	vimm.s32 $0x19;
	v4 =	vimm.s32 $0x29;
	s7 =	sand.u32 $0x60380, s24;
	s0 =	sadd.s32 s25, s0;
	s8 =	sadd.s32 s1, s3  }
0x10: {  	v5 =	vimm.s32 $0x39;
	v6 =	vimm.s32 $0x49;
	v12 =	vmul.u32 $0xFFFFFFFF, v1;
	s26 =	smax.u32 s2, $0x1;
	s24 =	simm.s32 $0xF000;
	s25 =	simm.s32 $0xF200  }
0x11: {  	v7 =	vimm.s32 $0x59;
	v8 =	vimm.s32 $0x69;
	v9 =	vimm.s32 $0x79;
	s3 =	simm.s32 $0x10000;
	s0 =	sadd.s32 $0x40400, s0;
	[dreg:$0x7] =	wrdreg s26  }
0x12: {  	v10 =	vimm.s32 $0x89;
	v11 =	vimm.f32 $0.0e+00;
	v12 =	vadd.s32 $0xF, v12;
	s26 =	simm.s32 $0xF400;
	[dreg:$0x6] =	wrdreg s0;
	s0 =	simm.s32 $0xFE00  }
.LBB2_7:
0x13: {  	s1 =	rddreg [dreg:$0x6]  }
0x14: {  	s2 =	simm.s32 $0x400;
	s4 =	simm.s32 $0x11000;
	s17 =	simm.s32 $0x2  }
0x15: {  	[hbm4b:s1+s14] =	stream.strided.scatter [tilespmem:s4], [sflag:$0x2], $0x200, s2, s14, $0x38;
	[tilespmem:$0x11300] =	vst v63  }
0x16: {  	_ =	swait.ge [sflag:s17], $0x200  }
0x17: {  	s11 =	rddreg [dreg:$0x5]  }
0x18: {  	s18 =	rddreg [dreg:$0x7];
	s11 =	sadd.s32 $0x1, s11  }
0x19: {  	p0 =	sne.s32 s11, s18  }
.Ltmp1:
0x1a: {  	_ = 	snop;
	(pc) =	sbr.rel @!p0 .LBB2_8-.Ltmp1, $3  }
0x1b: {  	_ =	sdelay $0x1  }
0x1c: {  	[sflag:s17] =	ssyncset.done $0x0  }
0x1d: {  	[sflag:s17] =	ssyncadd.s32 $0xFFFFFE00  }
.LBB2_1:
0x1e: {  	[tilespmem:$0x11200] =	vst v0  }
0x1f: {  	[tilespmem:$0x11210] =	vst v0  }
0x20: {  	[tilespmem:$0x11220] =	vst v0  }
0x21: {  	[tilespmem:$0x11230] =	vst v0  }
.Ltmp2:
0x22: {  	[tilespmem:$0x11240] =	vst v0;
	(pc) =	sbr.rel .LBB2_2-.Ltmp2, $4  }
0x23: {  	[tilespmem:$0x11250] =	vst v0  }
0x24: {  	[tilespmem:$0x11260] =	vst v0  }
0x25: {  	[tilespmem:$0x11270] =	vst v0  }
0x26: {  	[dreg:$0x5] =	wrdreg s11;
	[tilespmem:$0x11280] =	vst v0;
	s4 =	simm.s32 $0x0;
	s1 =	simm.s32 $0x0  }
.LBB2_6:
0x27: {  	s1 =	sadd.s32 $0x1, s1  }
0x28: {  	p0 =	sne.s32 s1, $0x8  }
.Ltmp3:
0x29: {  	_ = 	snop;
	(pc) =	sbr.rel @!p0 .LBB2_7-.Ltmp3, $2  }
0x2a: {  	_ =	sdelay $0x2  }
0x2b: {  	s4 =	sadd.s32 $0x800, s4  }
.LBB2_2:
0x2c: {  	s11 =	sshll.u32 s1, $0xE;
	s12 =	rddreg [dreg:$0x0]  }
0x2d: {  	s13 =	simm.s32 $0x4000;
	s16 =	simm.s32 $0x20000;
	s2 =	sadd.s32 s5, s11  }
0x2e: {  	s17 =	sshll.u32 s1, $0xA;
	s18 =	simm.s32 $0xC000;
	s2 =	sshrl.u32 s2, $0x3  }
0x2f: {  	s11 =	sor.u32 s11, s7;
	s12 =	sadd.s32 s12, s2;
	s2 =	simm.s32 $0x0  }
0x30: {  	[tilespmem:s2], [sflag:$0x1] =	stream.strided.gather [hbm4b:s12+s13], $0xC000, s16, s13, $0x38;
	[tilespmem:$0x11300] =	vst v63  }
0x31: {  	s11 =	sshrl.u32 s11, $0x3;
	s12 =	sadd.s32 s17, s6;
	s13 =	rddreg [dreg:$0x2]  }
0x32: {  	[tilespmem:s18], [sflag:$0x1] =	stream.linear.gather [hbm4b:s12+s2], $0x2000, $0x38;
	[tilespmem:$0x11300] =	vst v63  }
0x33: {  	s16 =	simm.s32 $0xE000;
	s11 =	sadd.s32 s13, s11  }
0x34: {  	[tilespmem:s16], [sflag:$0x1] =	stream.strided.gather [hbm4b:s11+s14], $0x180, s15, s14, $0x38;
	[tilespmem:$0x11300] =	vst v63  }
0x35: {  	s17 =	sadd.s32 $0x80, s11;
	s18 =	simm.s32 $0xE200  }
0x36: {  	[tilespmem:s18], [sflag:$0x1] =	stream.strided.gather [hbm4b:s17+s14], $0x180, s15, s14, $0x38;
	[tilespmem:$0x11300] =	vst v63  }
0x37: {  	s16 =	sadd.s32 $0x100, s11;
	s17 =	simm.s32 $0xE400  }
0x38: {  	[tilespmem:s17], [sflag:$0x1] =	stream.strided.gather [hbm4b:s16+s14], $0x180, s15, s14, $0x38;
	[tilespmem:$0x11300] =	vst v63  }
0x39: {  	s18 =	sadd.s32 $0x180, s11  }
0x3a: {  	[tilespmem:s19], [sflag:$0x1] =	stream.strided.gather [hbm4b:s18+s14], $0x180, s15, s14, $0x38;
	[tilespmem:$0x11300] =	vst v63  }
0x3b: {  	s13 =	sadd.s32 $0x200, s11  }
0x3c: {  	[tilespmem:s20], [sflag:$0x1] =	stream.strided.gather [hbm4b:s13+s14], $0x180, s15, s14, $0x38;
	[tilespmem:$0x11300] =	vst v63  }
0x3d: {  	s16 =	sadd.s32 $0x280, s11  }
0x3e: {  	[tilespmem:s21], [sflag:$0x1] =	stream.strided.gather [hbm4b:s16+s14], $0x180, s15, s14, $0x38;
	[tilespmem:$0x11300] =	vst v63  }
0x3f: {  	s17 =	sadd.s32 $0x300, s11  }
0x40: {  	[tilespmem:s22], [sflag:$0x1] =	stream.strided.gather [hbm4b:s17+s14], $0x180, s15, s14, $0x38;
	[tilespmem:$0x11300] =	vst v63  }
0x41: {  	s18 =	sadd.s32 $0x380, s11  }
0x42: {  	[tilespmem:s23], [sflag:$0x1] =	stream.strided.gather [hbm4b:s18+s14], $0x180, s15, s14, $0x38;
	[tilespmem:$0x11300] =	vst v63  }
0x43: {  	s13 =	sadd.s32 $0x400, s11  }
0x44: {  	[tilespmem:s24], [sflag:$0x1] =	stream.strided.gather [hbm4b:s13+s14], $0x180, s15, s14, $0x38;
	[tilespmem:$0x11300] =	vst v63  }
0x45: {  	s16 =	sadd.s32 $0x480, s11  }
0x46: {  	[tilespmem:s25], [sflag:$0x1] =	stream.strided.gather [hbm4b:s16+s14], $0x180, s15, s14, $0x38;
	[tilespmem:$0x11300] =	vst v63  }
0x47: {  	s17 =	sadd.s32 $0x500, s11  }
0x48: {  	[tilespmem:s26], [sflag:$0x1] =	stream.strided.gather [hbm4b:s17+s14], $0x180, s15, s14, $0x38;
	[tilespmem:$0x11300] =	vst v63  }
0x49: {  	s18 =	sadd.s32 $0x580, s11  }
0x4a: {  	[tilespmem:s28], [sflag:$0x1] =	stream.strided.gather [hbm4b:s18+s14], $0x180, s15, s14, $0x38;
	[tilespmem:$0x11300] =	vst v63  }
0x4b: {  	s13 =	sadd.s32 $0x600, s11  }
0x4c: {  	[tilespmem:s29], [sflag:$0x1] =	stream.strided.gather [hbm4b:s13+s14], $0x180, s15, s14, $0x38;
	[tilespmem:$0x11300] =	vst v63  }
0x4d: {  	s16 =	sadd.s32 $0x680, s11  }
0x4e: {  	[tilespmem:s30], [sflag:$0x1] =	stream.strided.gather [hbm4b:s16+s14], $0x180, s15, s14, $0x38;
	[tilespmem:$0x11300] =	vst v63  }
0x4f: {  	s17 =	sadd.s32 $0x700, s11  }
0x50: {  	[tilespmem:s31], [sflag:$0x1] =	stream.strided.gather [hbm4b:s17+s14], $0x180, s15, s14, $0x38;
	[tilespmem:$0x11300] =	vst v63  }
0x51: {  	s11 =	sadd.s32 $0x780, s11;
	s18 =	sshll.u32 s1, $0x9  }
0x52: {  	[tilespmem:s0], [sflag:$0x1] =	stream.strided.gather [hbm4b:s11+s14], $0x180, s15, s14, $0x38;
	[tilespmem:$0x11300] =	vst v63  }
0x53: {  	s11 =	sadd.s32 s18, s8  }
0x54: {  	[tilespmem:s3], [sflag:$0x1] =	stream.linear.gather [hbm4b:s11+s2], $0x1000, $0x38;
	[tilespmem:$0x11300] =	vst v63  }
0x55: {  	_ =	swait.ge [sflag:s9], $0xC000  }
0x56: {  	[sflag:s9] =	ssyncset.done $0x0  }
0x57: {  	[sflag:s9] =	ssyncadd.s32 $0xFFFF4000  }
0x58: {  	_ =	swait.ge [sflag:s9], $0x2000  }
0x59: {  	[sflag:s9] =	ssyncset.done $0x0  }
0x5a: {  	[sflag:s9] =	ssyncadd.s32 $0xFFFFE000  }
0x5b: {  	_ =	swait.ge [sflag:s9], $0x1800  }
.Ltmp4:
0x5c: {  	[sflag:s9] =	ssyncset.done $0x0;
	(pc) =	sbr.rel .LBB2_3-.Ltmp4, $4  }
0x5d: {  	[sflag:s9] =	ssyncadd.s32 $0xFFFFE800  }
0x5e: {  	_ =	swait.ge [sflag:s9], $0x1000  }
0x5f: {  	[sflag:s9] =	ssyncset.done $0x0  }
0x60: {  	s11 =	simm.s32 $0x0;
	[sflag:s9] =	ssyncadd.s32 $0xFFFFF000  }
.LBB2_5:
0x61: {  	s11 =	sadd.s32 $0x1, s11  }
0x62: {  	p0 =	sne.s32 s11, $0x80  }
.Ltmp5:
0x63: {  	_ = 	snop;
	(pc) =	sbr.rel @!p0 .LBB2_6-.Ltmp5, $2  }
0x64: {  	_ =	sdelay $0x2  }
0x65: {  	s2 =	sadd.s32 $0x10, s2  }
.LBB2_3:
0x66: {  	_ =	sdelay $0x3  }
0x67: {  	v15 =	vld.idx.msk [tilespmem:v2+s10+$0x0], $0xffff  }
0x68: {  	s16 =	sshrl.u32 s11, $0x3;
	v16 =	vld.idx.msk [tilespmem:v3+s10+$0x0], $0xffff  }
0x69: {  	v18 =	vld.idx.msk [tilespmem:v4+s10+$0x0], $0xffff;
	s12 =	sshll.u32 s16, $0xA  }
0x6a: {  	s13 =	sand.u32 $0x70, s2;
	v19 =	vld.idx.msk [tilespmem:v5+s10+$0x0], $0xffff;
	s17 =	sshra.s32 s12, $0x2  }
0x6b: {  	v26 =	vld.idx.msk [tilespmem:v6+s10+$0x0], $0xffff;
	s12 =	sand.u32 $0x3FFFFC00, s12;
	s17 =	sor.u32 s13, s17  }
0x6c: {  	s12 =	sor.u32 s13, s12;
	v13 =	vld [tilespmem:s17+$0x10000]  }
0x6d: {  	v44 =	vld [tilespmem:s12+$0x0]  }
0x6e: {  	v48 =	vld [tilespmem:s12+$0x4000]  }
0x6f: {  	v40 =	vld [tilespmem:s12+$0x8000]  }
0x70: {  	v38 =	vld [tilespmem:s12+$0x80]  }
0x71: {  	v37 =	vld [tilespmem:s12+$0x4080]  }
0x72: {  	v36 =	vld [tilespmem:s12+$0x8080]  }
0x73: {  	v43 =	vld [tilespmem:s12+$0x100]  }
0x74: {  	s18 =	sadd.s32 $0x10000, s17;
	v42 =	vld [tilespmem:s12+$0x4100]  }
0x75: {  	v14 =	vld [tilespmem:s18+$0x80];
	s18 =	sadd.s32 s2, s4  }
0x76: {  	v41 =	vld [tilespmem:s12+$0x8100];
	v17 =	vor.u32 s18, v1  }
0x77: {  	v33 =	vld [tilespmem:s12+$0x180];
	v17 =	vcvt.s32.f32 v17  }
0x78: {  	v34 =	vld [tilespmem:s12+$0x4180]  }
0x79: {  	v35 =	vld [tilespmem:s12+$0x8180];
	v17 =	vmul.f32 $9.999999950e+11, v17  }
0x7a: {  	v30 =	vld [tilespmem:s12+$0x200];
	v20 =	vmul.f32 v44, v44;
	v21 =	vmul.f32 v48, v48  }
0x7b: {  	v31 =	vld [tilespmem:s12+$0x4200];
	v22 =	vmul.f32 v38, v38;
	v23 =	vmul.f32 v37, v37  }
0x7c: {  	v32 =	vld [tilespmem:s12+$0x8200];
	vm0 =	vgt.f32 v14, v13;
	v14 =	vmul.f32 v40, v40;
	v13 =	vadd.f32 v21, v20  }
0x7d: {  	v24 =	vld [tilespmem:s12+$0x4280];
	v27 =	vadd.f32 $9.999999840e+17, v17;
	v17 =	vadd.f32 v23, v22;
	v20 =	vmul.f32 v36, v36  }
0x7e: {  	v25 =	vld [tilespmem:s12+$0x8280];
	v21 =	vmul.f32 v42, v42;
	v13 =	vadd.f32 v14, v13;
	v14 =	vmul.f32 v43, v43  }
0x7f: {  	v28 =	vmul.f32 v34, v34;
	v23 =	vld [tilespmem:s12+$0x280];
	v22 =	vmul.f32 v33, v33;
	v17 =	vadd.f32 v20, v17  }
0x80: {  	v20 =	vld [tilespmem:s12+$0x300];
	v51 =	vsel vm0, v13, v27;
	v13 =	vadd.f32 v21, v14;
	v14 =	vmul.f32 v41, v41  }
0x81: {  	v50 =	vsel vm0, v17, v27;
	v17 =	vadd.f32 v28, v22;
	v28 =	vmul.f32 v35, v35;
	v21 =	vld [tilespmem:s12+$0x4300]  }
0x82: {  	v29 =	vmul.f32 v31, v31;
	v22 =	vld [tilespmem:s12+$0x8300];
	v13 =	vadd.f32 v14, v13;
	v14 =	vmul.f32 v30, v30  }
0x83: {  	s16 =	sshll.u32 s16, $0x9;
	vm1 =	vlt.f32 v51, v15;
	vm2 =	vlt.f32 v50, v16;
	v16 =	vld [tilespmem:s12+$0x380];
	v15 =	vadd.f32 v28, v17  }
0x84: {  	s13 =	sor.u32 s13, s16;
	v28 =	vmul.f32 v32, v32;
	v17 =	vld [tilespmem:s12+$0x4380];
	vm1 =	vmor vm1, vm2;
	v14 =	vadd.f32 v29, v14  }
0x85: {  	v39 =	vmul.f32 v20, v20;
	v49 =	vsel vm0, v13, v27;
	v47 =	vsel vm0, v15, v27;
	v13 =	vld [tilespmem:s13+$0xC000]  }
0x86: {  	v29 =	vmul.f32 v25, v25;
	vm8 =	vlt.f32 v49, v18;
	v15 =	vadd.f32 v28, v14;
	v14 =	vld [tilespmem:s13+$0xC080]  }
0x87: {  	vm9 =	vlt.f32 v47, v19;
	v19 =	vmul.f32 v23, v23;
	v18 =	vld [tilespmem:s12+$0x8380];
	v45 =	vmul.f32 v22, v22  }
0x88: {  	vm1 =	vmor vm1, vm8;
	v28 =	vmul.f32 v24, v24;
	v46 =	vsel vm0, v15, v27;
	v15 =	vld [tilespmem:s13+$0xC100]  }
0x89: {  	v52 =	vmul.f32 v16, v16;
	vm10 =	vlt.f32 v46, v26;
	v26 =	vmul.f32 v21, v21  }
0x8a: {  	vm1 =	vmor vm1, vm9;
	v53 =	vmul.f32 v17, v17;
	v19 =	vadd.f32 v28, v19;
	v28 =	vld.idx.msk [tilespmem:v7+s10+$0x0], $0xffff  }
0x8b: {  	v54 =	vld.idx.msk [tilespmem:v8+s10+$0x0], $0xffff;
	v60 =	vmul.f32 v13, v13;
	v26 =	vadd.f32 v26, v39;
	v55 =	vmul.f32 v14, v14  }
0x8c: {  	v62 =	vld.idx.msk [tilespmem:v9+s10+$0x0], $0xffff;
	v19 =	vadd.f32 v29, v19;
	v29 =	vadd.f32 v53, v52;
	v61 =	vmul.f32 v18, v18  }
0x8d: {  	v56 =	vld.idx.msk [tilespmem:v10+s10+$0x0], $0xffff;
	v26 =	vadd.f32 v45, v26;
	v39 =	vadd.f32 v55, v60;
	v63 =	vmul.f32 v15, v15  }
0x8e: {  	vm1 =	vmor vm1, vm10;
	v29 =	vadd.f32 v61, v29;
	v45 =	vsel vm0, v19, v27  }
0x8f: {  	vm11 =	vlt.f32 v45, v28;
	v19 =	vadd.f32 v63, v39;
	v39 =	vsel vm0, v26, v27  }
0x90: {  	v29 =	vsel vm0, v29, v27;
	vm1 =	vmor vm1, vm11;
	vm12 =	vlt.f32 v39, v54  }
0x91: {  	vm14 =	vlt.f32 v29, v62;
	v19 =	vsel vm0, v19, v27;
	vm13 =	vmor vm1, vm12  }
0x92: {  	vm0 =	vmor vm13, vm14;
	vm15 =	vlt.f32 v19, v56  }
0x93: {  	vm0 =	vmor vm0, vm15  }
0x94: {  	v26 =	vsel vm0, $0x3F800000, v11  }
0x95: {  	(xrf0) =	vmax.scan.msk.f32 $0xffff, v26;
	_ =	sdelay $0x5  }
0x96: {  	v26, _, _ =	vpop (xrf0)  }
0x97: {  	(v2sf) =	vpush v26, $0xF;
	_ =	sdelay $0xe  }
0x98: {  	s18 =	spop (v2sf)  }
0x99: {  	p0 =	sgt.f32 s18, $0.0e+00  }
.Ltmp6:
0x9a: {  	_ = 	snop;
	(pc) =	sbr.rel @!p0 .LBB2_5-.Ltmp6, $1  }
0x9b: {  	_ =	sdelay $0x3  }
0x9c: {  	v27 =	vld [tilespmem:s13+$0xE000]  }
0x9d: {  	s12 =	sor.u32 $0x80, s13  }
0x9e: {  	s18 =	sor.u32 $0x100, s13;
	v28 =	vld [tilespmem:s12+$0xE000]  }
0x9f: {  	v26 =	vld [tilespmem:s18+$0xE000];
	_ =	sdelay $0x1  }
0xa0: {  	v44 =	vadd.f32 v27, v44;
	_ =	sdelay $0x1  }
0xa1: {  	v48 =	vadd.f32 v28, v48;
	(xrf1) =	vsort.ascd.msk.f32 $0xffff, v51, v44  }
0xa2: {  	v40 =	vadd.f32 v26, v40  }
0xa3: {  	(xrf1) =	vsort.ascd.msk.f32 $0xffff, v51, v48  }
0xa4: {  	(xrf1) =	vsort.ascd.msk.f32 $0xffff, v51, v40;
	_ =	sdelay $0x8  }
0xa5: {  	v60 =	vld [tilespmem:$0x11200]  }
0xa6: {  	v61 =	vld [tilespmem:$0x11000]  }
0xa7: {  	v62 =	vld [tilespmem:$0x11090];
	v63, v52, _ =	vpop (xrf1)  }
0xa8: {  	v53 =	vld [tilespmem:$0x11120];
	v51 =	vperm.xlane v63, v12  }
0xa9: {  	_, v54, _ =	vpop (xrf1);
	v52 =	vperm.xlane v52, v12  }
0xaa: {  	_, v55, _ =	vpop (xrf1);
	v54 =	vperm.xlane v54, v12;
	vm0 =	vle.f32 v60, v51  }
0xab: {  	v55 =	vperm.xlane v55, v12;
	v40 =	vsel vm0, v60, v51;
	v44 =	vsel vm0, v61, v52  }
0xac: {  	v48 =	vsel vm0, v62, v54;
	(xrf1) =	vsort.ascd.msk.f32 $0xffff, v40, v44  }
0xad: {  	v38 =	vadd.f32 v27, v38;
	v56 =	vsel vm0, v53, v55;
	(xrf1) =	vsort.ascd.msk.f32 $0xffff, v40, v48  }
0xae: {  	(xrf1) =	vsort.ascd.msk.f32 $0xffff, v40, v56  }
0xaf: {  	v37 =	vadd.f32 v28, v37;
	(xrf1) =	vsort.ascd.msk.f32 $0xffff, v50, v38  }
0xb0: {  	v36 =	vadd.f32 v26, v36  }
0xb1: {  	(xrf1) =	vsort.ascd.msk.f32 $0xffff, v50, v37  }
0xb2: {  	(xrf1) =	vsort.ascd.msk.f32 $0xffff, v50, v36;
	_ =	sdelay $0x7  }
0xb3: {  	v40, v38, _ =	vpop (xrf1)  }
0xb4: {  	v44 =	vld [tilespmem:$0x11210];
	_, v36, _ =	vpop (xrf1)  }
0xb5: {  	v57 =	vld [tilespmem:$0x11010];
	_, v37, _ =	vpop (xrf1)  }
0xb6: {  	v58 =	vld [tilespmem:$0x110A0];
	v60, v59, _ =	vpop (xrf1)  }
0xb7: {  	v61 =	vld [tilespmem:$0x11130];
	v51 =	vperm.xlane v60, v12  }
0xb8: {  	_, v62, _ =	vpop (xrf1);
	v52 =	vperm.xlane v59, v12  }
0xb9: {  	_, v63, _ =	vpop (xrf1);
	v54 =	vperm.xlane v62, v12;
	vm8 =	vle.f32 v44, v51  }
0xba: {  	v55 =	vperm.xlane v63, v12;
	v44 =	vsel vm8, v44, v51;
	v48 =	vsel vm8, v57, v52  }
0xbb: {  	v50 =	vsel vm8, v58, v54;
	(xrf1) =	vsort.ascd.msk.f32 $0xffff, v44, v48  }
0xbc: {  	v43 =	vadd.f32 v27, v43;
	v56 =	vsel vm8, v61, v55;
	(xrf1) =	vsort.ascd.msk.f32 $0xffff, v44, v50  }
0xbd: {  	(xrf1) =	vsort.ascd.msk.f32 $0xffff, v44, v56  }
0xbe: {  	v42 =	vadd.f32 v28, v42;
	(xrf1) =	vsort.ascd.msk.f32 $0xffff, v49, v43  }
0xbf: {  	v41 =	vadd.f32 v26, v41  }
0xc0: {  	(xrf1) =	vsort.ascd.msk.f32 $0xffff, v49, v42  }
0xc1: {  	(xrf1) =	vsort.ascd.msk.f32 $0xffff, v49, v41;
	_ =	sdelay $0x7  }
0xc2: {  	v43, v41, _ =	vpop (xrf1)  }
0xc3: {  	v48 =	vld [tilespmem:$0x11220];
	_, v42, _ =	vpop (xrf1)  }
0xc4: {  	v57 =	vld [tilespmem:$0x11020];
	_, v44, _ =	vpop (xrf1)  }
0xc5: {  	v58 =	vld [tilespmem:$0x110B0];
	v60, v59, _ =	vpop (xrf1)  }
0xc6: {  	v61 =	vld [tilespmem:$0x11140];
	v51 =	vperm.xlane v60, v12  }
0xc7: {  	_, v62, _ =	vpop (xrf1);
	v52 =	vperm.xlane v59, v12  }
0xc8: {  	_, v63, _ =	vpop (xrf1);
	v54 =	vperm.xlane v62, v12;
	vm9 =	vle.f32 v48, v51  }
0xc9: {  	v48 =	vsel vm9, v48, v51;
	v49 =	vsel vm9, v57, v52;
	v57 =	vperm.xlane v63, v12  }
0xca: {  	v50 =	vsel vm9, v58, v54;
	(xrf1) =	vsort.ascd.msk.f32 $0xffff, v48, v49  }
0xcb: {  	v33 =	vadd.f32 v27, v33;
	v58 =	vsel vm9, v61, v57;
	(xrf1) =	vsort.ascd.msk.f32 $0xffff, v48, v50  }
0xcc: {  	(xrf1) =	vsort.ascd.msk.f32 $0xffff, v48, v58  }
0xcd: {  	v34 =	vadd.f32 v28, v34;
	(xrf1) =	vsort.ascd.msk.f32 $0xffff, v47, v33  }
0xce: {  	v59 =	vadd.f32 v26, v35  }
0xcf: {  	(xrf1) =	vsort.ascd.msk.f32 $0xffff, v47, v34  }
0xd0: {  	(xrf1) =	vsort.ascd.msk.f32 $0xffff, v47, v59;
	_ =	sdelay $0x7  }
0xd1: {  	v47, v35, _ =	vpop (xrf1)  }
0xd2: {  	v60 =	vld [tilespmem:$0x11230];
	_, v34, _ =	vpop (xrf1)  }
0xd3: {  	v61 =	vld [tilespmem:$0x11030];
	_, v33, _ =	vpop (xrf1)  }
0xd4: {  	v62 =	vld [tilespmem:$0x110C0];
	v56, v63, _ =	vpop (xrf1)  }
0xd5: {  	v57 =	vld [tilespmem:$0x11150];
	v51 =	vperm.xlane v56, v12  }
0xd6: {  	_, v58, _ =	vpop (xrf1);
	v52 =	vperm.xlane v63, v12  }
0xd7: {  	_, v59, _ =	vpop (xrf1);
	v54 =	vperm.xlane v58, v12;
	vm10 =	vle.f32 v60, v51  }
0xd8: {  	v48 =	vsel vm10, v60, v51;
	v49 =	vsel vm10, v61, v52;
	v60 =	vperm.xlane v59, v12  }
0xd9: {  	v50 =	vsel vm10, v62, v54;
	(xrf1) =	vsort.ascd.msk.f32 $0xffff, v48, v49  }
0xda: {  	v30 =	vadd.f32 v27, v30;
	v61 =	vsel vm10, v57, v60;
	(xrf1) =	vsort.ascd.msk.f32 $0xffff, v48, v50  }
0xdb: {  	(xrf1) =	vsort.ascd.msk.f32 $0xffff, v48, v61  }
0xdc: {  	v31 =	vadd.f32 v28, v31;
	(xrf1) =	vsort.ascd.msk.f32 $0xffff, v46, v30  }
0xdd: {  	v62 =	vadd.f32 v26, v32  }
0xde: {  	(xrf1) =	vsort.ascd.msk.f32 $0xffff, v46, v31  }
0xdf: {  	(xrf1) =	vsort.ascd.msk.f32 $0xffff, v46, v62;
	_ =	sdelay $0x7  }
0xe0: {  	v46, v32, _ =	vpop (xrf1)  }
0xe1: {  	v48 =	vld [tilespmem:$0x11240];
	_, v31, _ =	vpop (xrf1)  }
0xe2: {  	v63 =	vld [tilespmem:$0x11040];
	_, v30, _ =	vpop (xrf1)  }
0xe3: {  	v57 =	vld [tilespmem:$0x110D0];
	v59, v58, _ =	vpop (xrf1)  }
0xe4: {  	v60 =	vld [tilespmem:$0x11160];
	v51 =	vperm.xlane v59, v12  }
0xe5: {  	_, v61, _ =	vpop (xrf1);
	v52 =	vperm.xlane v58, v12  }
0xe6: {  	_, v62, _ =	vpop (xrf1);
	v54 =	vperm.xlane v61, v12;
	vm11 =	vle.f32 v48, v51  }
0xe7: {  	v48 =	vsel vm11, v48, v51;
	v49 =	vsel vm11, v63, v52;
	v63 =	vperm.xlane v62, v12  }
0xe8: {  	v50 =	vsel vm11, v57, v54;
	(xrf1) =	vsort.ascd.msk.f32 $0xffff, v48, v49  }
0xe9: {  	v23 =	vadd.f32 v27, v23;
	v55 =	vsel vm11, v60, v63;
	(xrf1) =	vsort.ascd.msk.f32 $0xffff, v48, v50  }
0xea: {  	(xrf1) =	vsort.ascd.msk.f32 $0xffff, v48, v55  }
0xeb: {  	v24 =	vadd.f32 v28, v24;
	(xrf1) =	vsort.ascd.msk.f32 $0xffff, v45, v23  }
0xec: {  	v56 =	vadd.f32 v26, v25  }
0xed: {  	(xrf1) =	vsort.ascd.msk.f32 $0xffff, v45, v24  }
0xee: {  	(xrf1) =	vsort.ascd.msk.f32 $0xffff, v45, v56;
	_ =	sdelay $0x7  }
0xef: {  	v23, v24, _ =	vpop (xrf1)  }
0xf0: {  	v45 =	vld [tilespmem:$0x11250];
	_, v25, _ =	vpop (xrf1)  }
0xf1: {  	v57 =	vld [tilespmem:$0x11050];
	_, v48, _ =	vpop (xrf1)  }
0xf2: {  	v58 =	vld [tilespmem:$0x110E0];
	v60, v59, _ =	vpop (xrf1)  }
0xf3: {  	v61 =	vld [tilespmem:$0x11170];
	v51 =	vperm.xlane v60, v12  }
0xf4: {  	_, v62, _ =	vpop (xrf1);
	v52 =	vperm.xlane v59, v12  }
0xf5: {  	_, v63, _ =	vpop (xrf1);
	v54 =	vperm.xlane v62, v12;
	vm12 =	vle.f32 v45, v51  }
0xf6: {  	v45 =	vsel vm12, v45, v51;
	v49 =	vsel vm12, v57, v52;
	v57 =	vperm.xlane v63, v12  }
0xf7: {  	v50 =	vsel vm12, v58, v54;
	(xrf1) =	vsort.ascd.msk.f32 $0xffff, v45, v49  }
0xf8: {  	v20 =	vadd.f32 v27, v20;
	v58 =	vsel vm12, v61, v57;
	(xrf1) =	vsort.ascd.msk.f32 $0xffff, v45, v50  }
0xf9: {  	(xrf1) =	vsort.ascd.msk.f32 $0xffff, v45, v58  }
0xfa: {  	v21 =	vadd.f32 v28, v21;
	(xrf1) =	vsort.ascd.msk.f32 $0xffff, v39, v20  }
0xfb: {  	v59 =	vadd.f32 v26, v22  }
0xfc: {  	(xrf1) =	vsort.ascd.msk.f32 $0xffff, v39, v21  }
0xfd: {  	(xrf1) =	vsort.ascd.msk.f32 $0xffff, v39, v59;
	_ =	sdelay $0x7  }
0xfe: {  	v20, v21, _ =	vpop (xrf1)  }
0xff: {  	v60 =	vld [tilespmem:$0x11260];
	_, v22, _ =	vpop (xrf1)  }
0x100: {  	v61 =	vld [tilespmem:$0x11060];
	_, v45, _ =	vpop (xrf1)  }
0x101: {  	v62 =	vld [tilespmem:$0x110F0];
	v56, v63, _ =	vpop (xrf1)  }
0x102: {  	v57 =	vld [tilespmem:$0x11180];
	v51 =	vperm.xlane v56, v12  }
0x103: {  	_, v58, _ =	vpop (xrf1);
	v52 =	vperm.xlane v63, v12  }
0x104: {  	_, v59, _ =	vpop (xrf1);
	v54 =	vperm.xlane v58, v12;
	vm13 =	vle.f32 v60, v51  }
0x105: {  	v39 =	vsel vm13, v60, v51;
	v49 =	vsel vm13, v61, v52;
	v60 =	vperm.xlane v59, v12  }
0x106: {  	v50 =	vsel vm13, v62, v54;
	(xrf1) =	vsort.ascd.msk.f32 $0xffff, v39, v49  }
0x107: {  	v16 =	vadd.f32 v27, v16;
	v61 =	vsel vm13, v57, v60;
	(xrf1) =	vsort.ascd.msk.f32 $0xffff, v39, v50  }
0x108: {  	(xrf1) =	vsort.ascd.msk.f32 $0xffff, v39, v61  }
0x109: {  	v17 =	vadd.f32 v28, v17;
	(xrf1) =	vsort.ascd.msk.f32 $0xffff, v29, v16  }
0x10a: {  	v62 =	vadd.f32 v26, v18  }
0x10b: {  	(xrf1) =	vsort.ascd.msk.f32 $0xffff, v29, v17  }
0x10c: {  	(xrf1) =	vsort.ascd.msk.f32 $0xffff, v29, v62;
	_ =	sdelay $0x7  }
0x10d: {  	v16, v17, _ =	vpop (xrf1)  }
0x10e: {  	v29 =	vld [tilespmem:$0x11270];
	_, v18, _ =	vpop (xrf1)  }
0x10f: {  	v63 =	vld [tilespmem:$0x11070];
	_, v39, _ =	vpop (xrf1)  }
0x110: {  	v57 =	vld [tilespmem:$0x11100];
	v59, v58, _ =	vpop (xrf1)  }
0x111: {  	v60 =	vld [tilespmem:$0x11190];
	v51 =	vperm.xlane v59, v12  }
0x112: {  	_, v61, _ =	vpop (xrf1);
	v52 =	vperm.xlane v58, v12  }
0x113: {  	_, v62, _ =	vpop (xrf1);
	v54 =	vperm.xlane v61, v12;
	vm14 =	vle.f32 v29, v51  }
0x114: {  	v29 =	vsel vm14, v29, v51;
	v49 =	vsel vm14, v63, v52;
	v63 =	vperm.xlane v62, v12  }
0x115: {  	v50 =	vsel vm14, v57, v54;
	(xrf1) =	vsort.ascd.msk.f32 $0xffff, v29, v49  }
0x116: {  	v13 =	vadd.f32 v27, v13;
	v52 =	vsel vm14, v60, v63;
	(xrf1) =	vsort.ascd.msk.f32 $0xffff, v29, v50  }
0x117: {  	(xrf1) =	vsort.ascd.msk.f32 $0xffff, v29, v52  }
0x118: {  	(xrf1) =	vsort.ascd.msk.f32 $0xffff, v19, v13  }
0x119: {  	v13 =	vadd.f32 v28, v14  }
0x11a: {  	[tilespmem:$0x11200] =	vst v40;
	v14 =	vadd.f32 v26, v15  }
0x11b: {  	[tilespmem:$0x11000] =	vst v38;
	(xrf1) =	vsort.ascd.msk.f32 $0xffff, v19, v13  }
0x11c: {  	[tilespmem:$0x11090] =	vst v36;
	(xrf1) =	vsort.ascd.msk.f32 $0xffff, v19, v14  }
0x11d: {  	[tilespmem:$0x11120] =	vst v37  }
0x11e: {  	[tilespmem:$0x11210] =	vst v43  }
0x11f: {  	[tilespmem:$0x11010] =	vst v41  }
0x120: {  	[tilespmem:$0x110A0] =	vst v42  }
0x121: {  	[tilespmem:$0x11130] =	vst v44  }
0x122: {  	[tilespmem:$0x11220] =	vst v47  }
0x123: {  	[tilespmem:$0x11020] =	vst v35;
	v13, v14, _ =	vpop (xrf1)  }
0x124: {  	v53 =	vld [tilespmem:$0x11280];
	[tilespmem:$0x110B0] =	vst v34;
	_, v15, _ =	vpop (xrf1)  }
0x125: {  	[tilespmem:$0x11140] =	vst v33;
	v55 =	vld [tilespmem:$0x11080];
	_, v54, _ =	vpop (xrf1)  }
0x126: {  	[tilespmem:$0x11230] =	vst v46;
	v57, v56, _ =	vpop (xrf1)  }
0x127: {  	[tilespmem:$0x11030] =	vst v32;
	v58 =	vld [tilespmem:$0x11110];
	v28 =	vperm.xlane v57, v12  }
0x128: {  	[tilespmem:$0x110C0] =	vst v31;
	v59 =	vld [tilespmem:$0x111A0];
	v29 =	vperm.xlane v56, v12  }
0x129: {  	[tilespmem:$0x11150] =	vst v30;
	_, v60, _ =	vpop (xrf1);
	vm15 =	vle.f32 v53, v28  }
0x12a: {  	[tilespmem:$0x11240] =	vst v23;
	_, v61, _ =	vpop (xrf1);
	v62 =	vperm.xlane v60, v12;
	v19 =	vsel vm15, v53, v28;
	v27 =	vsel vm15, v55, v29  }
0x12b: {  	[tilespmem:$0x11040] =	vst v24;
	v23 =	vperm.xlane v61, v12;
	(xrf1) =	vsort.ascd.msk.f32 $0xffff, v19, v27  }
0x12c: {  	[tilespmem:$0x110D0] =	vst v25;
	v63 =	vsel vm15, v58, v62  }
0x12d: {  	[tilespmem:$0x11160] =	vst v48;
	v23 =	vsel vm15, v59, v23;
	(xrf1) =	vsort.ascd.msk.f32 $0xffff, v19, v63  }
0x12e: {  	[tilespmem:$0x11250] =	vst v20;
	(xrf1) =	vsort.ascd.msk.f32 $0xffff, v19, v23  }
0x12f: {  	[tilespmem:$0x11050] =	vst v21  }
0x130: {  	[tilespmem:$0x110E0] =	vst v22  }
0x131: {  	[tilespmem:$0x11170] =	vst v45  }
0x132: {  	[tilespmem:$0x11260] =	vst v16  }
0x133: {  	[tilespmem:$0x11060] =	vst v17  }
0x134: {  	[tilespmem:$0x110F0] =	vst v18  }
0x135: {  	[tilespmem:$0x11180] =	vst v39  }
0x136: {  	[tilespmem:$0x11270] =	vst v13  }
0x137: {  	[tilespmem:$0x11070] =	vst v14  }
0x138: {  	[tilespmem:$0x11100] =	vst v15  }
.Ltmp7:
0x139: {  	[tilespmem:$0x11190] =	vst v54;
	v13, v14, _ =	vpop (xrf1);
	(pc) =	sbr.rel .LBB2_5-.Ltmp7, $4  }
0x13a: {  	[tilespmem:$0x11280] =	vst v13  }
0x13b: {  	[tilespmem:$0x11080] =	vst v14;
	_, v13, _ =	vpop (xrf1)  }
0x13c: {  	_, v14, _ =	vpop (xrf1);
	[tilespmem:$0x11110] =	vst v13  }
0x13d: {  	[tilespmem:$0x111A0] =	vst v14  }
.LBB2_8:
0x13e: {  	_ =	sfence.sel $0x180000  }
0x13f: {  	[bflag:$0x0] =	sbarrier.arrive $0xFFFF  }
0x140: {  	_ =	strace $0x90000047  }
0x141: {  	s0 =	stileid.u32;
	[bflag:$0x2] =	sbarrier.arrive $0xFFFF  }
0x142: {  	p0 =	sne.s32 s0, $0x0;
	s0 =	rddreg [dreg:$0x4]  }
0x143: {  	s0 =	sadd.s32 @!p0 $0x100000, s0  }
0x144: {  	[sflag:s0] =	ssyncadd.tile.s32 @!p0 $0x1;
	_ =	shalt  }
.Lfunc_end2:
_tile_overlayer_lowered:
.L_overlay_start_2:
0x145: {  	(tag) =	ssettag $0x2  }
0x146: {  	s0 =	rddreg [dreg:$0x0];
	s2 =	stileid.u32  }
0x147: {  	s1 =	rddreg [dreg:$0x1];
	p0 =	sne.s32 s2, $0x0  }
0x148: {  	s3 =	rddreg [dreg:$0x2];
	[bflag:$0x3] =	sbarrier.arrive $0xFFFF;
	s2 =	simm.s32 @!p0 $0x1C02  }
0x149: {  	[timem:s3], [sflag:s2] =	dma.local @!p0 [hbm:s0], s1  }
0x14a: {  	s0 =	simm.s32 @!p0 $0x2  }
0x14b: {  	_ =	swait.ge @!p0 [sflag:s0], s1  }
0x14c: {  	s1 =	ssub.s32 @!p0 $0x0, s1;
	[sflag:s0] =	ssyncset.done @!p0 $0x0  }
0x14d: {  	[sflag:s0] =	ssyncadd.s32 @!p0 s1  }
0x14e: {  	[bflag:$0x3] =	sbarrier.arrive $0xFFFF  }
0x14f: {  	_ =	shalt  }

</sc_bundles>
